<compile_context>
chip_gen: v7x
topology: tpu7x:2x2x1
jax: 0.10.2.dev20260603
libtpu: 0.0.44.dev20260713+nightly
codegen_flags: <defaults>
</compile_context>

<pallas_src>
import functools

import jax
import jax.numpy as jnp
from jax import lax
from jax.experimental import pallas as pl
from jax.experimental.pallas import tpu as pltpu
from jax.experimental.pallas import tpu_sc as plsc

_NC, _NS, _L = 2, 16, 16
_NW = _NC * _NS


def _dcn_block(e_ref, c_ref, lab_ref, loss_ref, *, n_total):
    e = e_ref[...]
    c = c_ref[...]
    k = c.shape[0]

    xct = jax.lax.dot_general(
        (c * -2.0).astype(jnp.bfloat16),
        e.astype(jnp.bfloat16),
        (((1,), (1,)), ((), ())),
        preferred_element_type=jnp.float32,
    )
    c2 = jnp.sum(c * c, axis=1, keepdims=True)
    part = xct + c2

    minv = jnp.min(part, axis=0, keepdims=True)
    iota = jax.lax.broadcasted_iota(jnp.int32, part.shape, 0).astype(jnp.float32)
    labf = jnp.min(jnp.where(part == minv, iota, float(k)), axis=0, keepdims=True)
    lab_ref[0] = labf.astype(jnp.int32)

    blk = jnp.sum(e * e) + jnp.sum(minv)
    loss_ref[...] = (blk * (1.0 / n_total)).reshape(1, 1, 1)


def _tc_assign(embedded, centers):
    n, d = embedded.shape
    k = centers.shape[0]
    bn = 4096
    g = n // bn

    lab3, loss_parts = pl.pallas_call(
        functools.partial(_dcn_block, n_total=n),
        grid=(g,),
        in_specs=[
            pl.BlockSpec((bn, d), lambda i: (i, 0)),
            pl.BlockSpec((k, d), lambda i: (0, 0)),
        ],
        out_specs=[
            pl.BlockSpec((1, 1, bn), lambda i: (i, 0, 0)),
            pl.BlockSpec((1, 1, 1), lambda i: (i, 0, 0)),
        ],
        out_shape=[
            jax.ShapeDtypeStruct((g, 1, bn), jnp.int32),
            jax.ShapeDtypeStruct((g, 1, 1), jnp.float32),
        ],
        compiler_params=pltpu.CompilerParams(
            dimension_semantics=("parallel",),
        ),
    )(embedded, centers)

    return lab3.reshape(n), loss_parts


def _sc_gather_loss(embedded, centers, labels):
    n, d = embedded.shape
    ch = 64
    per_w = n // _NW
    n_ch = per_w // ch
    mesh = plsc.VectorSubcoreMesh(core_axis_name="c", subcore_axis_name="s")

    @functools.partial(
        pl.kernel,
        mesh=mesh,
        out_type=jax.ShapeDtypeStruct((_NW, _L), jnp.float32),
        scratch_types=[
            pltpu.VMEM((ch,), jnp.int32),
            pltpu.VMEM((ch, d), jnp.float32),
            pltpu.VMEM((ch, d), jnp.float32),
            pltpu.VMEM((_L,), jnp.float32),
            pltpu.SemaphoreType.DMA,
        ],
    )
    def k(e_hbm, c_hbm, lab_hbm, out_hbm, idx_v, rows_v, e_v, acc_v, sem):
        wid = lax.axis_index("s") * _NC + lax.axis_index("c")
        acc_v[...] = jnp.zeros((_L,), jnp.float32)

        @pl.loop(0, n_ch)
        def _(j):
            base = wid * per_w + j * ch
            pltpu.sync_copy(lab_hbm.at[pl.ds(base, ch)], idx_v)
            pltpu.async_copy(c_hbm.at[idx_v], rows_v, sem).wait()
            pltpu.sync_copy(e_hbm.at[pl.ds(base, ch)], e_v)

            @pl.loop(0, ch)
            def _(r):
                for l in range(d // _L):
                    dv = e_v[r, pl.ds(l * _L, _L)] - rows_v[r, pl.ds(l * _L, _L)]
                    acc_v[...] = acc_v[...] + dv * dv

        pltpu.sync_copy(acc_v, out_hbm.at[wid])

    return k(embedded, centers, labels)


def kernel(embedded, centers):
    labels, _ = _tc_assign(embedded, centers)
    parts = _sc_gather_loss(embedded, centers, labels)
    loss = jnp.sum(parts) * (1.0 / embedded.shape[0])
    return labels, loss

# --- scband reference (transcript-rebuilt; emitter-appended) ---
"""Pipeline reference for scband-dcn-module-75892072120841 (READ-ONLY COPY).

The authoritative reference and input builder live on the scoring server;
editing this copy changes nothing except your own understanding.
"""

import jax, jax.numpy as jnp
import numpy as np

N = 16384
K = 1024
D = 256


def setup_inputs(seed: int = 0) -> dict:
    key = jax.random.key(seed)
    k1, k2 = jax.random.split(key, 2)
    embedded = jax.random.normal(k1, (N, D), dtype=jnp.float32)
    centers = jax.random.normal(k2, (K, D), dtype=jnp.float32)
    return {"embedded": embedded, "centers": centers}


def reference(embedded, centers):
    # predict_hard: squared Euclidean distance to every center, argmin -> hard labels
    e2 = jnp.sum(embedded * embedded, axis=1, keepdims=True)          # [N, 1]
    c2 = jnp.sum(centers * centers, axis=1)                           # [K]
    dist = e2 - 2.0 * (embedded @ centers.T) + c2[None, :]            # [N, K]
    labels = jnp.argmin(dist, axis=1).astype(jnp.int32)               # [N]
    # dcn_loss: gather assigned centers, mean (over batch) of summed squared error
    gathered = jnp.take(centers, labels, axis=0)                      # [N, D]
    loss = jnp.sum((embedded - gathered) ** 2) / embedded.shape[0]
    return labels, loss

if __name__ == "__main__":
    import jax
    _d = setup_inputs()
    print(jax.jit(kernel)(*tuple(_d.values())))

</pallas_src>

<mosaic_0001>
#map = affine_map<(d0, d1) -> (0, 0)>
#map1 = affine_map<(d0, d1) -> (0)>
module attributes {stable_mosaic.version = 14 : i64} {
  func.func @k(%arg0: i32, %arg1: i32, %arg2: memref<16384x256xf32, #tpu.memory_space<hbm>>, %arg3: memref<1024x256xf32, #tpu.memory_space<hbm>>, %arg4: memref<16384xi32, #tpu.memory_space<hbm>>, %arg5: memref<32x16xf32, #tpu.memory_space<hbm>>, %arg6: memref<64xi32, #tpu.memory_space<vmem>>, %arg7: memref<64x256xf32, #tpu.memory_space<vmem>>, %arg8: memref<64x256xf32, #tpu.memory_space<vmem>>, %arg9: memref<16xf32, #tpu.memory_space<vmem>>, %arg10: memref<!tpu.dma_semaphore, #tpu.memory_space<semaphore_mem>>) attributes {dimension_semantics = [#tpu.dimension_semantics<core_parallel>, #tpu.dimension_semantics<subcore_parallel>], iteration_bounds = array<i64: 2, 16>, scalar_prefetch = 0 : i64, scratch_operands = 5 : i64, tpu.core_type = #tpu.core_type<sc_vector_subcore>, window_params = [{transform_indices = #map}, {transform_indices = #map}, {transform_indices = #map1}, {transform_indices = #map}]} {
    %mul3A = arith.constant 2 : i32
    %mul3A_0 = arith.muli %arg1, %mul3A : i32
    %add3A = arith.addi %mul3A_0, %arg0 : i32
    %broadcast_in_dim3A = arith.constant 0.000000e+00 : f32
    %broadcast_in_dim3A_1 = vector.broadcast %broadcast_in_dim3A : f32 to vector<16xf32>
    %swap3A = arith.constant 0 : index
    %swap3A_2 = tpu.vector_load %arg9[%swap3A] {strides = array<i32>} : memref<16xf32, #tpu.memory_space<vmem>>, vector<16xf32>,
    %swap3A_3 = vector.shape_cast %swap3A_2 : vector<16xf32> to vector<16xf32>
    %swap3A_4 = vector.shape_cast %broadcast_in_dim3A_1 : vector<16xf32> to vector<16xf32>
    tpu.vector_store %arg9[%swap3A], %swap3A_4 {strides = array<i32>} : memref<16xf32, #tpu.memory_space<vmem>>, vector<16xf32>,
    %scan3A = arith.constant 0 : i32
    %scan3A_5 = arith.constant 8 : i32
    %scan3A_6 = arith.addi %scan3A, %scan3A_5 : i32
    %scan3A_7 = arith.constant 1 : i32
    scf.for %scan3A_9 = %scan3A to %scan3A_6 step %scan3A_7  : i32 {
      %mul3A_10 = arith.constant 1 : i32
      %mul3A_11 = arith.muli %scan3A_9, %mul3A_10 : i32
      %add3A_12 = arith.constant 0 : i32
      %add3A_13 = arith.addi %add3A_12, %mul3A_11 : i32
      %mul3A_14 = arith.constant 512 : i32
      %mul3A_15 = arith.muli %add3A, %mul3A_14 : i32
      %mul3A_16 = arith.constant 64 : i32
      %mul3A_17 = arith.muli %add3A_13, %mul3A_16 : i32
      %add3A_18 = arith.addi %mul3A_15, %mul3A_17 : i32
      "tpu.region"() ({
        %run_scoped3A = tpu.sem_alloc : memref<!tpu.dma_semaphore, #tpu.memory_space<semaphore_mem>>
        %dma_start3A_28 = tpu.memref_slice %arg4[%add3A_18] : memref<16384xi32, #tpu.memory_space<hbm>> -> memref<64xi32, #tpu.memory_space<hbm>>
        %dma_start3A_29 = tpu.memref_slice %arg4[%add3A_18] : memref<16384xi32, #tpu.memory_space<hbm>> -> memref<64xi32, #tpu.memory_space<hbm>>
        tpu.enqueue_dma source(%dma_start3A_29 : memref<64xi32, #tpu.memory_space<hbm>>) target(%arg6 : memref<64xi32, #tpu.memory_space<vmem>>) target_semaphore(%run_scoped3A : memref<!tpu.dma_semaphore, #tpu.memory_space<semaphore_mem>>)
        %dma_wait3A_30 = tpu.memref_slice %arg4[%add3A_18] : memref<16384xi32, #tpu.memory_space<hbm>> -> memref<64xi32, #tpu.memory_space<hbm>>
        %dma_wait3A_31 = tpu.memref_slice %arg4[%add3A_18] : memref<16384xi32, #tpu.memory_space<hbm>> -> memref<64xi32, #tpu.memory_space<hbm>>
        tpu.wait_dma2 semaphore(%run_scoped3A : memref<!tpu.dma_semaphore, #tpu.memory_space<semaphore_mem>>) src(%dma_wait3A_31 : memref<64xi32, #tpu.memory_space<hbm>>) dst(%arg6 : memref<64xi32, #tpu.memory_space<vmem>>)
        tpu.yield
      }) : () -> ()
      %dma_start3A = arith.constant 0 : i32
      %dma_start3A_19 = arith.constant 0 : i32
      %dma_start3A_20 = tpu.memref_slice %arg3[%dma_start3A, %dma_start3A_19] : memref<1024x256xf32, #tpu.memory_space<hbm>> -> memref<1024x256xf32, #tpu.memory_space<hbm>>
      tpu.enqueue_indirect_dma source(%dma_start3A_20 : memref<1024x256xf32, #tpu.memory_space<hbm>>) target(%arg7 : memref<64x256xf32, #tpu.memory_space<vmem>>) offsets(%arg6 : memref<64xi32, #tpu.memory_space<vmem>>) semaphore(%arg10 : memref<!tpu.dma_semaphore, #tpu.memory_space<semaphore_mem>>)
      %dma_wait3A = arith.constant 0 : i32
      %dma_wait3A_21 = arith.constant 0 : i32
      %dma_wait3A_22 = tpu.memref_slice %arg3[%dma_wait3A, %dma_wait3A_21] : memref<1024x256xf32, #tpu.memory_space<hbm>> -> memref<1024x256xf32, #tpu.memory_space<hbm>>
      tpu.wait_indirect_dma semaphore(%arg10 : memref<!tpu.dma_semaphore, #tpu.memory_space<semaphore_mem>>) src(%dma_wait3A_22 : memref<1024x256xf32, #tpu.memory_space<hbm>>) dst(%arg7 : memref<64x256xf32, #tpu.memory_space<vmem>>)
      "tpu.region"() ({
        %run_scoped3A = tpu.sem_alloc : memref<!tpu.dma_semaphore, #tpu.memory_space<semaphore_mem>>
        %dma_start3A_28 = arith.constant 0 : i32
        %dma_start3A_29 = tpu.memref_slice %arg2[%add3A_18, %dma_start3A_28] : memref<16384x256xf32, #tpu.memory_space<hbm>> -> memref<64x256xf32, #tpu.memory_space<hbm>>
        %dma_start3A_30 = arith.constant 0 : i32
        %dma_start3A_31 = tpu.memref_slice %arg2[%add3A_18, %dma_start3A_30] : memref<16384x256xf32, #tpu.memory_space<hbm>> -> memref<64x256xf32, #tpu.memory_space<hbm>>
        tpu.enqueue_dma source(%dma_start3A_31 : memref<64x256xf32, #tpu.memory_space<hbm>>) target(%arg8 : memref<64x256xf32, #tpu.memory_space<vmem>>) target_semaphore(%run_scoped3A : memref<!tpu.dma_semaphore, #tpu.memory_space<semaphore_mem>>)
        %dma_wait3A_32 = arith.constant 0 : i32
        %dma_wait3A_33 = tpu.memref_slice %arg2[%add3A_18, %dma_wait3A_32] : memref<16384x256xf32, #tpu.memory_space<hbm>> -> memref<64x256xf32, #tpu.memory_space<hbm>>
        %dma_wait3A_34 = arith.constant 0 : i32
        %dma_wait3A_35 = tpu.memref_slice %arg2[%add3A_18, %dma_wait3A_34] : memref<16384x256xf32, #tpu.memory_space<hbm>> -> memref<64x256xf32, #tpu.memory_space<hbm>>
        tpu.wait_dma2 semaphore(%run_scoped3A : memref<!tpu.dma_semaphore, #tpu.memory_space<semaphore_mem>>) src(%dma_wait3A_35 : memref<64x256xf32, #tpu.memory_space<hbm>>) dst(%arg8 : memref<64x256xf32, #tpu.memory_space<vmem>>)
        tpu.yield
      }) : () -> ()
      %scan3A_23 = arith.constant 0 : i32
      %scan3A_24 = arith.constant 64 : i32
      %scan3A_25 = arith.addi %scan3A_23, %scan3A_24 : i32
      %scan3A_26 = arith.constant 1 : i32
      scf.for %scan3A_28 = %scan3A_23 to %scan3A_25 step %scan3A_26  : i32 {
        %mul3A_29 = arith.constant 1 : i32
        %mul3A_30 = arith.muli %scan3A_28, %mul3A_29 : i32
        %add3A_31 = arith.constant 0 : i32
        %add3A_32 = arith.addi %add3A_31, %mul3A_30 : i32
        %get3A = arith.index_cast %add3A_32 : i32 to index
        %get3A_33 = arith.constant 0 : index
        %get3A_34 = tpu.vector_load %arg8[%get3A, %get3A_33] {strides = array<i32>} : memref<64x256xf32, #tpu.memory_space<vmem>>, vector<1x16xf32>,
        %get3A_35 = vector.shape_cast %get3A_34 : vector<1x16xf32> to vector<16xf32>
        %get3A_36 = arith.index_cast %add3A_32 : i32 to index
        %get3A_37 = arith.constant 0 : index
        %get3A_38 = tpu.vector_load %arg7[%get3A_36, %get3A_37] {strides = array<i32>} : memref<64x256xf32, #tpu.memory_space<vmem>>, vector<1x16xf32>,
        %get3A_39 = vector.shape_cast %get3A_38 : vector<1x16xf32> to vector<16xf32>
        %sub3A = arith.subf %get3A_35, %get3A_39 : vector<16xf32>
        %get3A_40 = arith.constant 0 : index
        %get3A_41 = tpu.vector_load %arg9[%get3A_40] {strides = array<i32>} : memref<16xf32, #tpu.memory_space<vmem>>, vector<16xf32>,
        %get3A_42 = vector.shape_cast %get3A_41 : vector<16xf32> to vector<16xf32>
        %mul3A_43 = arith.mulf %sub3A, %sub3A : vector<16xf32>
        %add3A_44 = arith.addf %get3A_42, %mul3A_43 : vector<16xf32>
        %swap3A_45 = arith.constant 0 : index
        %swap3A_46 = tpu.vector_load %arg9[%swap3A_45] {strides = array<i32>} : memref<16xf32, #tpu.memory_space<vmem>>, vector<16xf32>,
        %swap3A_47 = vector.shape_cast %swap3A_46 : vector<16xf32> to vector<16xf32>
        %swap3A_48 = vector.shape_cast %add3A_44 : vector<16xf32> to vector<16xf32>
        tpu.vector_store %arg9[%swap3A_45], %swap3A_48 {strides = array<i32>} : memref<16xf32, #tpu.memory_space<vmem>>, vector<16xf32>,
        %get3A_49 = arith.index_cast %add3A_32 : i32 to index
        %get3A_50 = arith.constant 16 : index
        %get3A_51 = tpu.vector_load %arg8[%get3A_49, %get3A_50] {strides = array<i32>} : memref<64x256xf32, #tpu.memory_space<vmem>>, vector<1x16xf32>,
        %get3A_52 = vector.shape_cast %get3A_51 : vector<1x16xf32> to vector<16xf32>
        %get3A_53 = arith.index_cast %add3A_32 : i32 to index
        %get3A_54 = arith.constant 16 : index
        %get3A_55 = tpu.vector_load %arg7[%get3A_53, %get3A_54] {strides = array<i32>} : memref<64x256xf32, #tpu.memory_space<vmem>>, vector<1x16xf32>,
        %get3A_56 = vector.shape_cast %get3A_55 : vector<1x16xf32> to vector<16xf32>
        %sub3A_57 = arith.subf %get3A_52, %get3A_56 : vector<16xf32>
        %get3A_58 = arith.constant 0 : index
        %get3A_59 = tpu.vector_load %arg9[%get3A_58] {strides = array<i32>} : memref<16xf32, #tpu.memory_space<vmem>>, vector<16xf32>,
        %get3A_60 = vector.shape_cast %get3A_59 : vector<16xf32> to vector<16xf32>
        %mul3A_61 = arith.mulf %sub3A_57, %sub3A_57 : vector<16xf32>
        %add3A_62 = arith.addf %get3A_60, %mul3A_61 : vector<16xf32>
        %swap3A_63 = arith.constant 0 : index
        %swap3A_64 = tpu.vector_load %arg9[%swap3A_63] {strides = array<i32>} : memref<16xf32, #tpu.memory_space<vmem>>, vector<16xf32>,
        %swap3A_65 = vector.shape_cast %swap3A_64 : vector<16xf32> to vector<16xf32>
        %swap3A_66 = vector.shape_cast %add3A_62 : vector<16xf32> to vector<16xf32>
        tpu.vector_store %arg9[%swap3A_63], %swap3A_66 {strides = array<i32>} : memref<16xf32, #tpu.memory_space<vmem>>, vector<16xf32>,
        %get3A_67 = arith.index_cast %add3A_32 : i32 to index
        %get3A_68 = arith.constant 32 : index
        %get3A_69 = tpu.vector_load %arg8[%get3A_67, %get3A_68] {strides = array<i32>} : memref<64x256xf32, #tpu.memory_space<vmem>>, vector<1x16xf32>,
        %get3A_70 = vector.shape_cast %get3A_69 : vector<1x16xf32> to vector<16xf32>
        %get3A_71 = arith.index_cast %add3A_32 : i32 to index
        %get3A_72 = arith.constant 32 : index
        %get3A_73 = tpu.vector_load %arg7[%get3A_71, %get3A_72] {strides = array<i32>} : memref<64x256xf32, #tpu.memory_space<vmem>>, vector<1x16xf32>,
        %get3A_74 = vector.shape_cast %get3A_73 : vector<1x16xf32> to vector<16xf32>
        %sub3A_75 = arith.subf %get3A_70, %get3A_74 : vector<16xf32>
        %get3A_76 = arith.constant 0 : index
        %get3A_77 = tpu.vector_load %arg9[%get3A_76] {strides = array<i32>} : memref<16xf32, #tpu.memory_space<vmem>>, vector<16xf32>,
        %get3A_78 = vector.shape_cast %get3A_77 : vector<16xf32> to vector<16xf32>
        %mul3A_79 = arith.mulf %sub3A_75, %sub3A_75 : vector<16xf32>
        %add3A_80 = arith.addf %get3A_78, %mul3A_79 : vector<16xf32>
        %swap3A_81 = arith.constant 0 : index
        %swap3A_82 = tpu.vector_load %arg9[%swap3A_81] {strides = array<i32>} : memref<16xf32, #tpu.memory_space<vmem>>, vector<16xf32>,
        %swap3A_83 = vector.shape_cast %swap3A_82 : vector<16xf32> to vector<16xf32>
        %swap3A_84 = vector.shape_cast %add3A_80 : vector<16xf32> to vector<16xf32>
        tpu.vector_store %arg9[%swap3A_81], %swap3A_84 {strides = array<i32>} : memref<16xf32, #tpu.memory_space<vmem>>, vector<16xf32>,
        %get3A_85 = arith.index_cast %add3A_32 : i32 to index
        %get3A_86 = arith.constant 48 : index
        %get3A_87 = tpu.vector_load %arg8[%get3A_85, %get3A_86] {strides = array<i32>} : memref<64x256xf32, #tpu.memory_space<vmem>>, vector<1x16xf32>,
        %get3A_88 = vector.shape_cast %get3A_87 : vector<1x16xf32> to vector<16xf32>
        %get3A_89 = arith.index_cast %add3A_32 : i32 to index
        %get3A_90 = arith.constant 48 : index
        %get3A_91 = tpu.vector_load %arg7[%get3A_89, %get3A_90] {strides = array<i32>} : memref<64x256xf32, #tpu.memory_space<vmem>>, vector<1x16xf32>,
        %get3A_92 = vector.shape_cast %get3A_91 : vector<1x16xf32> to vector<16xf32>
        %sub3A_93 = arith.subf %get3A_88, %get3A_92 : vector<16xf32>
        %get3A_94 = arith.constant 0 : index
        %get3A_95 = tpu.vector_load %arg9[%get3A_94] {strides = array<i32>} : memref<16xf32, #tpu.memory_space<vmem>>, vector<16xf32>,
        %get3A_96 = vector.shape_cast %get3A_95 : vector<16xf32> to vector<16xf32>
        %mul3A_97 = arith.mulf %sub3A_93, %sub3A_93 : vector<16xf32>
        %add3A_98 = arith.addf %get3A_96, %mul3A_97 : vector<16xf32>
        %swap3A_99 = arith.constant 0 : index
        %swap3A_100 = tpu.vector_load %arg9[%swap3A_99] {strides = array<i32>} : memref<16xf32, #tpu.memory_space<vmem>>, vector<16xf32>,
        %swap3A_101 = vector.shape_cast %swap3A_100 : vector<16xf32> to vector<16xf32>
        %swap3A_102 = vector.shape_cast %add3A_98 : vector<16xf32> to vector<16xf32>
        tpu.vector_store %arg9[%swap3A_99], %swap3A_102 {strides = array<i32>} : memref<16xf32, #tpu.memory_space<vmem>>, vector<16xf32>,
        %get3A_103 = arith.index_cast %add3A_32 : i32 to index
        %get3A_104 = arith.constant 64 : index
        %get3A_105 = tpu.vector_load %arg8[%get3A_103, %get3A_104] {strides = array<i32>} : memref<64x256xf32, #tpu.memory_space<vmem>>, vector<1x16xf32>,
        %get3A_106 = vector.shape_cast %get3A_105 : vector<1x16xf32> to vector<16xf32>
        %get3A_107 = arith.index_cast %add3A_32 : i32 to index
        %get3A_108 = arith.constant 64 : index
        %get3A_109 = tpu.vector_load %arg7[%get3A_107, %get3A_108] {strides = array<i32>} : memref<64x256xf32, #tpu.memory_space<vmem>>, vector<1x16xf32>,
        %get3A_110 = vector.shape_cast %get3A_109 : vector<1x16xf32> to vector<16xf32>
        %sub3A_111 = arith.subf %get3A_106, %get3A_110 : vector<16xf32>
        %get3A_112 = arith.constant 0 : index
        %get3A_113 = tpu.vector_load %arg9[%get3A_112] {strides = array<i32>} : memref<16xf32, #tpu.memory_space<vmem>>, vector<16xf32>,
        %get3A_114 = vector.shape_cast %get3A_113 : vector<16xf32> to vector<16xf32>
        %mul3A_115 = arith.mulf %sub3A_111, %sub3A_111 : vector<16xf32>
        %add3A_116 = arith.addf %get3A_114, %mul3A_115 : vector<16xf32>
        %swap3A_117 = arith.constant 0 : index
        %swap3A_118 = tpu.vector_load %arg9[%swap3A_117] {strides = array<i32>} : memref<16xf32, #tpu.memory_space<vmem>>, vector<16xf32>,
        %swap3A_119 = vector.shape_cast %swap3A_118 : vector<16xf32> to vector<16xf32>
        %swap3A_120 = vector.shape_cast %add3A_116 : vector<16xf32> to vector<16xf32>
        tpu.vector_store %arg9[%swap3A_117], %swap3A_120 {strides = array<i32>} : memref<16xf32, #tpu.memory_space<vmem>>, vector<16xf32>,
        %get3A_121 = arith.index_cast %add3A_32 : i32 to index
        %get3A_122 = arith.constant 80 : index
        %get3A_123 = tpu.vector_load %arg8[%get3A_121, %get3A_122] {strides = array<i32>} : memref<64x256xf32, #tpu.memory_space<vmem>>, vector<1x16xf32>,
        %get3A_124 = vector.shape_cast %get3A_123 : vector<1x16xf32> to vector<16xf32>
        %get3A_125 = arith.index_cast %add3A_32 : i32 to index
        %get3A_126 = arith.constant 80 : index
        %get3A_127 = tpu.vector_load %arg7[%get3A_125, %get3A_126] {strides = array<i32>} : memref<64x256xf32, #tpu.memory_space<vmem>>, vector<1x16xf32>,
        %get3A_128 = vector.shape_cast %get3A_127 : vector<1x16xf32> to vector<16xf32>
        %sub3A_129 = arith.subf %get3A_124, %get3A_128 : vector<16xf32>
        %get3A_130 = arith.constant 0 : index
        %get3A_131 = tpu.vector_load %arg9[%get3A_130] {strides = array<i32>} : memref<16xf32, #tpu.memory_space<vmem>>, vector<16xf32>,
        %get3A_132 = vector.shape_cast %get3A_131 : vector<16xf32> to vector<16xf32>
        %mul3A_133 = arith.mulf %sub3A_129, %sub3A_129 : vector<16xf32>
        %add3A_134 = arith.addf %get3A_132, %mul3A_133 : vector<16xf32>
        %swap3A_135 = arith.constant 0 : index
        %swap3A_136 = tpu.vector_load %arg9[%swap3A_135] {strides = array<i32>} : memref<16xf32, #tpu.memory_space<vmem>>, vector<16xf32>,
        %swap3A_137 = vector.shape_cast %swap3A_136 : vector<16xf32> to vector<16xf32>
        %swap3A_138 = vector.shape_cast %add3A_134 : vector<16xf32> to vector<16xf32>
        tpu.vector_store %arg9[%swap3A_135], %swap3A_138 {strides = array<i32>} : memref<16xf32, #tpu.memory_space<vmem>>, vector<16xf32>,
        %get3A_139 = arith.index_cast %add3A_32 : i32 to index
        %get3A_140 = arith.constant 96 : index
        %get3A_141 = tpu.vector_load %arg8[%get3A_139, %get3A_140] {strides = array<i32>} : memref<64x256xf32, #tpu.memory_space<vmem>>, vector<1x16xf32>,
        %get3A_142 = vector.shape_cast %get3A_141 : vector<1x16xf32> to vector<16xf32>
        %get3A_143 = arith.index_cast %add3A_32 : i32 to index
        %get3A_144 = arith.constant 96 : index
        %get3A_145 = tpu.vector_load %arg7[%get3A_143, %get3A_144] {strides = array<i32>} : memref<64x256xf32, #tpu.memory_space<vmem>>, vector<1x16xf32>,
        %get3A_146 = vector.shape_cast %get3A_145 : vector<1x16xf32> to vector<16xf32>
        %sub3A_147 = arith.subf %get3A_142, %get3A_146 : vector<16xf32>
        %get3A_148 = arith.constant 0 : index
        %get3A_149 = tpu.vector_load %arg9[%get3A_148] {strides = array<i32>} : memref<16xf32, #tpu.memory_space<vmem>>, vector<16xf32>,
        %get3A_150 = vector.shape_cast %get3A_149 : vector<16xf32> to vector<16xf32>
        %mul3A_151 = arith.mulf %sub3A_147, %sub3A_147 : vector<16xf32>
        %add3A_152 = arith.addf %get3A_150, %mul3A_151 : vector<16xf32>
        %swap3A_153 = arith.constant 0 : index
        %swap3A_154 = tpu.vector_load %arg9[%swap3A_153] {strides = array<i32>} : memref<16xf32, #tpu.memory_space<vmem>>, vector<16xf32>,
        %swap3A_155 = vector.shape_cast %swap3A_154 : vector<16xf32> to vector<16xf32>
        %swap3A_156 = vector.shape_cast %add3A_152 : vector<16xf32> to vector<16xf32>
        tpu.vector_store %arg9[%swap3A_153], %swap3A_156 {strides = array<i32>} : memref<16xf32, #tpu.memory_space<vmem>>, vector<16xf32>,
        %get3A_157 = arith.index_cast %add3A_32 : i32 to index
        %get3A_158 = arith.constant 112 : index
        %get3A_159 = tpu.vector_load %arg8[%get3A_157, %get3A_158] {strides = array<i32>} : memref<64x256xf32, #tpu.memory_space<vmem>>, vector<1x16xf32>,
        %get3A_160 = vector.shape_cast %get3A_159 : vector<1x16xf32> to vector<16xf32>
        %get3A_161 = arith.index_cast %add3A_32 : i32 to index
        %get3A_162 = arith.constant 112 : index
        %get3A_163 = tpu.vector_load %arg7[%get3A_161, %get3A_162] {strides = array<i32>} : memref<64x256xf32, #tpu.memory_space<vmem>>, vector<1x16xf32>,
        %get3A_164 = vector.shape_cast %get3A_163 : vector<1x16xf32> to vector<16xf32>
        %sub3A_165 = arith.subf %get3A_160, %get3A_164 : vector<16xf32>
        %get3A_166 = arith.constant 0 : index
        %get3A_167 = tpu.vector_load %arg9[%get3A_166] {strides = array<i32>} : memref<16xf32, #tpu.memory_space<vmem>>, vector<16xf32>,
        %get3A_168 = vector.shape_cast %get3A_167 : vector<16xf32> to vector<16xf32>
        %mul3A_169 = arith.mulf %sub3A_165, %sub3A_165 : vector<16xf32>
        %add3A_170 = arith.addf %get3A_168, %mul3A_169 : vector<16xf32>
        %swap3A_171 = arith.constant 0 : index
        %swap3A_172 = tpu.vector_load %arg9[%swap3A_171] {strides = array<i32>} : memref<16xf32, #tpu.memory_space<vmem>>, vector<16xf32>,
        %swap3A_173 = vector.shape_cast %swap3A_172 : vector<16xf32> to vector<16xf32>
        %swap3A_174 = vector.shape_cast %add3A_170 : vector<16xf32> to vector<16xf32>
        tpu.vector_store %arg9[%swap3A_171], %swap3A_174 {strides = array<i32>} : memref<16xf32, #tpu.memory_space<vmem>>, vector<16xf32>,
        %get3A_175 = arith.index_cast %add3A_32 : i32 to index
        %get3A_176 = arith.constant 128 : index
        %get3A_177 = tpu.vector_load %arg8[%get3A_175, %get3A_176] {strides = array<i32>} : memref<64x256xf32, #tpu.memory_space<vmem>>, vector<1x16xf32>,
        %get3A_178 = vector.shape_cast %get3A_177 : vector<1x16xf32> to vector<16xf32>
        %get3A_179 = arith.index_cast %add3A_32 : i32 to index
        %get3A_180 = arith.constant 128 : index
        %get3A_181 = tpu.vector_load %arg7[%get3A_179, %get3A_180] {strides = array<i32>} : memref<64x256xf32, #tpu.memory_space<vmem>>, vector<1x16xf32>,
        %get3A_182 = vector.shape_cast %get3A_181 : vector<1x16xf32> to vector<16xf32>
        %sub3A_183 = arith.subf %get3A_178, %get3A_182 : vector<16xf32>
        %get3A_184 = arith.constant 0 : index
        %get3A_185 = tpu.vector_load %arg9[%get3A_184] {strides = array<i32>} : memref<16xf32, #tpu.memory_space<vmem>>, vector<16xf32>,
        %get3A_186 = vector.shape_cast %get3A_185 : vector<16xf32> to vector<16xf32>
        %mul3A_187 = arith.mulf %sub3A_183, %sub3A_183 : vector<16xf32>
        %add3A_188 = arith.addf %get3A_186, %mul3A_187 : vector<16xf32>
        %swap3A_189 = arith.constant 0 : index
        %swap3A_190 = tpu.vector_load %arg9[%swap3A_189] {strides = array<i32>} : memref<16xf32, #tpu.memory_space<vmem>>, vector<16xf32>,
        %swap3A_191 = vector.shape_cast %swap3A_190 : vector<16xf32> to vector<16xf32>
        %swap3A_192 = vector.shape_cast %add3A_188 : vector<16xf32> to vector<16xf32>
        tpu.vector_store %arg9[%swap3A_189], %swap3A_192 {strides = array<i32>} : memref<16xf32, #tpu.memory_space<vmem>>, vector<16xf32>,
        %get3A_193 = arith.index_cast %add3A_32 : i32 to index
        %get3A_194 = arith.constant 144 : index
        %get3A_195 = tpu.vector_load %arg8[%get3A_193, %get3A_194] {strides = array<i32>} : memref<64x256xf32, #tpu.memory_space<vmem>>, vector<1x16xf32>,
        %get3A_196 = vector.shape_cast %get3A_195 : vector<1x16xf32> to vector<16xf32>
        %get3A_197 = arith.index_cast %add3A_32 : i32 to index
        %get3A_198 = arith.constant 144 : index
        %get3A_199 = tpu.vector_load %arg7[%get3A_197, %get3A_198] {strides = array<i32>} : memref<64x256xf32, #tpu.memory_space<vmem>>, vector<1x16xf32>,
        %get3A_200 = vector.shape_cast %get3A_199 : vector<1x16xf32> to vector<16xf32>
        %sub3A_201 = arith.subf %get3A_196, %get3A_200 : vector<16xf32>
        %get3A_202 = arith.constant 0 : index
        %get3A_203 = tpu.vector_load %arg9[%get3A_202] {strides = array<i32>} : memref<16xf32, #tpu.memory_space<vmem>>, vector<16xf32>,
        %get3A_204 = vector.shape_cast %get3A_203 : vector<16xf32> to vector<16xf32>
        %mul3A_205 = arith.mulf %sub3A_201, %sub3A_201 : vector<16xf32>
        %add3A_206 = arith.addf %get3A_204, %mul3A_205 : vector<16xf32>
        %swap3A_207 = arith.constant 0 : index
        %swap3A_208 = tpu.vector_load %arg9[%swap3A_207] {strides = array<i32>} : memref<16xf32, #tpu.memory_space<vmem>>, vector<16xf32>,
        %swap3A_209 = vector.shape_cast %swap3A_208 : vector<16xf32> to vector<16xf32>
        %swap3A_210 = vector.shape_cast %add3A_206 : vector<16xf32> to vector<16xf32>
        tpu.vector_store %arg9[%swap3A_207], %swap3A_210 {strides = array<i32>} : memref<16xf32, #tpu.memory_space<vmem>>, vector<16xf32>,
        %get3A_211 = arith.index_cast %add3A_32 : i32 to index
        %get3A_212 = arith.constant 160 : index
        %get3A_213 = tpu.vector_load %arg8[%get3A_211, %get3A_212] {strides = array<i32>} : memref<64x256xf32, #tpu.memory_space<vmem>>, vector<1x16xf32>,
        %get3A_214 = vector.shape_cast %get3A_213 : vector<1x16xf32> to vector<16xf32>
        %get3A_215 = arith.index_cast %add3A_32 : i32 to index
        %get3A_216 = arith.constant 160 : index
        %get3A_217 = tpu.vector_load %arg7[%get3A_215, %get3A_216] {strides = array<i32>} : memref<64x256xf32, #tpu.memory_space<vmem>>, vector<1x16xf32>,
        %get3A_218 = vector.shape_cast %get3A_217 : vector<1x16xf32> to vector<16xf32>
        %sub3A_219 = arith.subf %get3A_214, %get3A_218 : vector<16xf32>
        %get3A_220 = arith.constant 0 : index
        %get3A_221 = tpu.vector_load %arg9[%get3A_220] {strides = array<i32>} : memref<16xf32, #tpu.memory_space<vmem>>, vector<16xf32>,
        %get3A_222 = vector.shape_cast %get3A_221 : vector<16xf32> to vector<16xf32>
        %mul3A_223 = arith.mulf %sub3A_219, %sub3A_219 : vector<16xf32>
        %add3A_224 = arith.addf %get3A_222, %mul3A_223 : vector<16xf32>
        %swap3A_225 = arith.constant 0 : index
        %swap3A_226 = tpu.vector_load %arg9[%swap3A_225] {strides = array<i32>} : memref<16xf32, #tpu.memory_space<vmem>>, vector<16xf32>,
        %swap3A_227 = vector.shape_cast %swap3A_226 : vector<16xf32> to vector<16xf32>
        %swap3A_228 = vector.shape_cast %add3A_224 : vector<16xf32> to vector<16xf32>
        tpu.vector_store %arg9[%swap3A_225], %swap3A_228 {strides = array<i32>} : memref<16xf32, #tpu.memory_space<vmem>>, vector<16xf32>,
        %get3A_229 = arith.index_cast %add3A_32 : i32 to index
        %get3A_230 = arith.constant 176 : index
        %get3A_231 = tpu.vector_load %arg8[%get3A_229, %get3A_230] {strides = array<i32>} : memref<64x256xf32, #tpu.memory_space<vmem>>, vector<1x16xf32>,
        %get3A_232 = vector.shape_cast %get3A_231 : vector<1x16xf32> to vector<16xf32>
        %get3A_233 = arith.index_cast %add3A_32 : i32 to index
        %get3A_234 = arith.constant 176 : index
        %get3A_235 = tpu.vector_load %arg7[%get3A_233, %get3A_234] {strides = array<i32>} : memref<64x256xf32, #tpu.memory_space<vmem>>, vector<1x16xf32>,
        %get3A_236 = vector.shape_cast %get3A_235 : vector<1x16xf32> to vector<16xf32>
        %sub3A_237 = arith.subf %get3A_232, %get3A_236 : vector<16xf32>
        %get3A_238 = arith.constant 0 : index
        %get3A_239 = tpu.vector_load %arg9[%get3A_238] {strides = array<i32>} : memref<16xf32, #tpu.memory_space<vmem>>, vector<16xf32>,
        %get3A_240 = vector.shape_cast %get3A_239 : vector<16xf32> to vector<16xf32>
        %mul3A_241 = arith.mulf %sub3A_237, %sub3A_237 : vector<16xf32>
        %add3A_242 = arith.addf %get3A_240, %mul3A_241 : vector<16xf32>
        %swap3A_243 = arith.constant 0 : index
        %swap3A_244 = tpu.vector_load %arg9[%swap3A_243] {strides = array<i32>} : memref<16xf32, #tpu.memory_space<vmem>>, vector<16xf32>,
        %swap3A_245 = vector.shape_cast %swap3A_244 : vector<16xf32> to vector<16xf32>
        %swap3A_246 = vector.shape_cast %add3A_242 : vector<16xf32> to vector<16xf32>
        tpu.vector_store %arg9[%swap3A_243], %swap3A_246 {strides = array<i32>} : memref<16xf32, #tpu.memory_space<vmem>>, vector<16xf32>,
        %get3A_247 = arith.index_cast %add3A_32 : i32 to index
        %get3A_248 = arith.constant 192 : index
        %get3A_249 = tpu.vector_load %arg8[%get3A_247, %get3A_248] {strides = array<i32>} : memref<64x256xf32, #tpu.memory_space<vmem>>, vector<1x16xf32>,
        %get3A_250 = vector.shape_cast %get3A_249 : vector<1x16xf32> to vector<16xf32>
        %get3A_251 = arith.index_cast %add3A_32 : i32 to index
        %get3A_252 = arith.constant 192 : index
        %get3A_253 = tpu.vector_load %arg7[%get3A_251, %get3A_252] {strides = array<i32>} : memref<64x256xf32, #tpu.memory_space<vmem>>, vector<1x16xf32>,
        %get3A_254 = vector.shape_cast %get3A_253 : vector<1x16xf32> to vector<16xf32>
        %sub3A_255 = arith.subf %get3A_250, %get3A_254 : vector<16xf32>
        %get3A_256 = arith.constant 0 : index
        %get3A_257 = tpu.vector_load %arg9[%get3A_256] {strides = array<i32>} : memref<16xf32, #tpu.memory_space<vmem>>, vector<16xf32>,
        %get3A_258 = vector.shape_cast %get3A_257 : vector<16xf32> to vector<16xf32>
        %mul3A_259 = arith.mulf %sub3A_255, %sub3A_255 : vector<16xf32>
        %add3A_260 = arith.addf %get3A_258, %mul3A_259 : vector<16xf32>
        %swap3A_261 = arith.constant 0 : index
        %swap3A_262 = tpu.vector_load %arg9[%swap3A_261] {strides = array<i32>} : memref<16xf32, #tpu.memory_space<vmem>>, vector<16xf32>,
        %swap3A_263 = vector.shape_cast %swap3A_262 : vector<16xf32> to vector<16xf32>
        %swap3A_264 = vector.shape_cast %add3A_260 : vector<16xf32> to vector<16xf32>
        tpu.vector_store %arg9[%swap3A_261], %swap3A_264 {strides = array<i32>} : memref<16xf32, #tpu.memory_space<vmem>>, vector<16xf32>,
        %get3A_265 = arith.index_cast %add3A_32 : i32 to index
        %get3A_266 = arith.constant 208 : index
        %get3A_267 = tpu.vector_load %arg8[%get3A_265, %get3A_266] {strides = array<i32>} : memref<64x256xf32, #tpu.memory_space<vmem>>, vector<1x16xf32>,
        %get3A_268 = vector.shape_cast %get3A_267 : vector<1x16xf32> to vector<16xf32>
        %get3A_269 = arith.index_cast %add3A_32 : i32 to index
        %get3A_270 = arith.constant 208 : index
        %get3A_271 = tpu.vector_load %arg7[%get3A_269, %get3A_270] {strides = array<i32>} : memref<64x256xf32, #tpu.memory_space<vmem>>, vector<1x16xf32>,
        %get3A_272 = vector.shape_cast %get3A_271 : vector<1x16xf32> to vector<16xf32>
        %sub3A_273 = arith.subf %get3A_268, %get3A_272 : vector<16xf32>
        %get3A_274 = arith.constant 0 : index
        %get3A_275 = tpu.vector_load %arg9[%get3A_274] {strides = array<i32>} : memref<16xf32, #tpu.memory_space<vmem>>, vector<16xf32>,
        %get3A_276 = vector.shape_cast %get3A_275 : vector<16xf32> to vector<16xf32>
        %mul3A_277 = arith.mulf %sub3A_273, %sub3A_273 : vector<16xf32>
        %add3A_278 = arith.addf %get3A_276, %mul3A_277 : vector<16xf32>
        %swap3A_279 = arith.constant 0 : index
        %swap3A_280 = tpu.vector_load %arg9[%swap3A_279] {strides = array<i32>} : memref<16xf32, #tpu.memory_space<vmem>>, vector<16xf32>,
        %swap3A_281 = vector.shape_cast %swap3A_280 : vector<16xf32> to vector<16xf32>
        %swap3A_282 = vector.shape_cast %add3A_278 : vector<16xf32> to vector<16xf32>
        tpu.vector_store %arg9[%swap3A_279], %swap3A_282 {strides = array<i32>} : memref<16xf32, #tpu.memory_space<vmem>>, vector<16xf32>,
        %get3A_283 = arith.index_cast %add3A_32 : i32 to index
        %get3A_284 = arith.constant 224 : index
        %get3A_285 = tpu.vector_load %arg8[%get3A_283, %get3A_284] {strides = array<i32>} : memref<64x256xf32, #tpu.memory_space<vmem>>, vector<1x16xf32>,
        %get3A_286 = vector.shape_cast %get3A_285 : vector<1x16xf32> to vector<16xf32>
        %get3A_287 = arith.index_cast %add3A_32 : i32 to index
        %get3A_288 = arith.constant 224 : index
        %get3A_289 = tpu.vector_load %arg7[%get3A_287, %get3A_288] {strides = array<i32>} : memref<64x256xf32, #tpu.memory_space<vmem>>, vector<1x16xf32>,
        %get3A_290 = vector.shape_cast %get3A_289 : vector<1x16xf32> to vector<16xf32>
        %sub3A_291 = arith.subf %get3A_286, %get3A_290 : vector<16xf32>
        %get3A_292 = arith.constant 0 : index
        %get3A_293 = tpu.vector_load %arg9[%get3A_292] {strides = array<i32>} : memref<16xf32, #tpu.memory_space<vmem>>, vector<16xf32>,
        %get3A_294 = vector.shape_cast %get3A_293 : vector<16xf32> to vector<16xf32>
        %mul3A_295 = arith.mulf %sub3A_291, %sub3A_291 : vector<16xf32>
        %add3A_296 = arith.addf %get3A_294, %mul3A_295 : vector<16xf32>
        %swap3A_297 = arith.constant 0 : index
        %swap3A_298 = tpu.vector_load %arg9[%swap3A_297] {strides = array<i32>} : memref<16xf32, #tpu.memory_space<vmem>>, vector<16xf32>,
        %swap3A_299 = vector.shape_cast %swap3A_298 : vector<16xf32> to vector<16xf32>
        %swap3A_300 = vector.shape_cast %add3A_296 : vector<16xf32> to vector<16xf32>
        tpu.vector_store %arg9[%swap3A_297], %swap3A_300 {strides = array<i32>} : memref<16xf32, #tpu.memory_space<vmem>>, vector<16xf32>,
        %get3A_301 = arith.index_cast %add3A_32 : i32 to index
        %get3A_302 = arith.constant 240 : index
        %get3A_303 = tpu.vector_load %arg8[%get3A_301, %get3A_302] {strides = array<i32>} : memref<64x256xf32, #tpu.memory_space<vmem>>, vector<1x16xf32>,
        %get3A_304 = vector.shape_cast %get3A_303 : vector<1x16xf32> to vector<16xf32>
        %get3A_305 = arith.index_cast %add3A_32 : i32 to index
        %get3A_306 = arith.constant 240 : index
        %get3A_307 = tpu.vector_load %arg7[%get3A_305, %get3A_306] {strides = array<i32>} : memref<64x256xf32, #tpu.memory_space<vmem>>, vector<1x16xf32>,
        %get3A_308 = vector.shape_cast %get3A_307 : vector<1x16xf32> to vector<16xf32>
        %sub3A_309 = arith.subf %get3A_304, %get3A_308 : vector<16xf32>
        %get3A_310 = arith.constant 0 : index
        %get3A_311 = tpu.vector_load %arg9[%get3A_310] {strides = array<i32>} : memref<16xf32, #tpu.memory_space<vmem>>, vector<16xf32>,
        %get3A_312 = vector.shape_cast %get3A_311 : vector<16xf32> to vector<16xf32>
        %mul3A_313 = arith.mulf %sub3A_309, %sub3A_309 : vector<16xf32>
        %add3A_314 = arith.addf %get3A_312, %mul3A_313 : vector<16xf32>
        %swap3A_315 = arith.constant 0 : index
        %swap3A_316 = tpu.vector_load %arg9[%swap3A_315] {strides = array<i32>} : memref<16xf32, #tpu.memory_space<vmem>>, vector<16xf32>,
        %swap3A_317 = vector.shape_cast %swap3A_316 : vector<16xf32> to vector<16xf32>
        %swap3A_318 = vector.shape_cast %add3A_314 : vector<16xf32> to vector<16xf32>
        tpu.vector_store %arg9[%swap3A_315], %swap3A_318 {strides = array<i32>} : memref<16xf32, #tpu.memory_space<vmem>>, vector<16xf32>,
      }
      %scan3A_27 = arith.constant 64 : i32
    }
    %scan3A_8 = arith.constant 8 : i32
    "tpu.region"() ({
      %run_scoped3A = tpu.sem_alloc : memref<!tpu.dma_semaphore, #tpu.memory_space<semaphore_mem>>
      %dma_start3A = arith.constant 0 : i32
      %dma_start3A_9 = tpu.memref_slice %arg5[%add3A, %dma_start3A] : memref<32x16xf32, #tpu.memory_space<hbm>> -> memref<1x16xf32, #tpu.memory_space<hbm>>
      %dma_start3A_10 = tpu.memref_squeeze %dma_start3A_9 : memref<1x16xf32, #tpu.memory_space<hbm>> -> memref<16xf32, #tpu.memory_space<hbm>>
      %dma_start3A_11 = arith.constant 0 : i32
      %dma_start3A_12 = tpu.memref_slice %arg5[%add3A, %dma_start3A_11] : memref<32x16xf32, #tpu.memory_space<hbm>> -> memref<1x16xf32, #tpu.memory_space<hbm>>
      %dma_start3A_13 = tpu.memref_squeeze %dma_start3A_12 : memref<1x16xf32, #tpu.memory_space<hbm>> -> memref<16xf32, #tpu.memory_space<hbm>>
      tpu.enqueue_dma source(%arg9 : memref<16xf32, #tpu.memory_space<vmem>>) target(%dma_start3A_13 : memref<16xf32, #tpu.memory_space<hbm>>) target_semaphore(%run_scoped3A : memref<!tpu.dma_semaphore, #tpu.memory_space<semaphore_mem>>)
      %dma_wait3A = arith.constant 0 : i32
      %dma_wait3A_14 = tpu.memref_slice %arg5[%add3A, %dma_wait3A] : memref<32x16xf32, #tpu.memory_space<hbm>> -> memref<1x16xf32, #tpu.memory_space<hbm>>
      %dma_wait3A_15 = tpu.memref_squeeze %dma_wait3A_14 : memref<1x16xf32, #tpu.memory_space<hbm>> -> memref<16xf32, #tpu.memory_space<hbm>>
      %dma_wait3A_16 = arith.constant 0 : i32
      %dma_wait3A_17 = tpu.memref_slice %arg5[%add3A, %dma_wait3A_16] : memref<32x16xf32, #tpu.memory_space<hbm>> -> memref<1x16xf32, #tpu.memory_space<hbm>>
      %dma_wait3A_18 = tpu.memref_squeeze %dma_wait3A_17 : memref<1x16xf32, #tpu.memory_space<hbm>> -> memref<16xf32, #tpu.memory_space<hbm>>
      tpu.wait_dma2 semaphore(%run_scoped3A : memref<!tpu.dma_semaphore, #tpu.memory_space<semaphore_mem>>) src(%arg9 : memref<16xf32, #tpu.memory_space<vmem>>) dst(%dma_wait3A_18 : memref<16xf32, #tpu.memory_space<hbm>>)
      tpu.yield
    }) : () -> ()
    return
  }
}

module attributes {stable_mosaic.version = 14 : i64} {
  func.func @_dcn_block(%arg0: i32, %arg1: memref<4096x256xf32, #tpu.memory_space<vmem>>, %arg2: memref<1024x256xf32, #tpu.memory_space<vmem>>, %arg3: memref<1x1x4096xi32, #tpu.memory_space<vmem>>, %arg4: memref<1x1x1xf32, #tpu.memory_space<vmem>>) attributes {dimension_semantics = [#tpu.dimension_semantics<parallel>], iteration_bounds = array<i64: 4>, scalar_prefetch = 0 : i64, scratch_operands = 0 : i64, tpu.core_type = #tpu.core_type<tc>, window_params = [{transform_indices = @transform_0, window_bounds = array<i64: 4096, 256>}, {pipeline_mode = #tpu.pipeline_mode<synchronous>, transform_indices = @transform_1, window_bounds = array<i64: 1024, 256>}, {transform_indices = @transform_2, window_bounds = array<i64: 1, 1, 4096>}, {transform_indices = @transform_3, window_bounds = array<i64: 1, 1, 1>}]} {
    %get3A = arith.constant 0 : index
    %get3A_0 = arith.constant 0 : index
    %get3A_1 = vector.load %arg1[%get3A, %get3A_0] : memref<4096x256xf32, #tpu.memory_space<vmem>>, vector<4096x256xf32>
    %get3A_2 = arith.constant 0 : index
    %get3A_3 = arith.constant 0 : index
    %get3A_4 = vector.load %arg2[%get3A_2, %get3A_3] : memref<1024x256xf32, #tpu.memory_space<vmem>>, vector<1024x256xf32>
    %mul3A = arith.constant -2.000000e+00 : f32
    %mul3A_5 = vector.broadcast %mul3A : f32 to vector<1024x256xf32>
    %mul3A_6 = arith.mulf %get3A_4, %mul3A_5 : vector<1024x256xf32>
    %convert_element_type3A = arith.truncf %mul3A_6 : vector<1024x256xf32> to vector<1024x256xbf16>
    %convert_element_type3A_7 = arith.truncf %get3A_1 : vector<4096x256xf32> to vector<4096x256xbf16>
    %dot_general3A = arith.constant dense<0.000000e+00> : vector<1024x4096xf32>
    %dot_general3A_8 = tpu.matmul %convert_element_type3A, %convert_element_type3A_7, %dot_general3A {dimension_numbers = #tpu.dot_dimension_numbers<[1], [1], [0], [0], [0, 0, 1, 0], [], []>, transpose_lhs_hint = false} : vector<1024x256xbf16>, vector<4096x256xbf16>, vector<1024x4096xf32> -> vector<1024x4096xf32>
    %mul3A_9 = arith.mulf %get3A_4, %get3A_4 : vector<1024x256xf32>
    %reduce_sum3A = arith.constant dense<0.000000e+00> : vector<1024xf32>
    %reduce_sum3A_10 = vector.multi_reduction <add>, %mul3A_9, %reduce_sum3A [1] : vector<1024x256xf32> to vector<1024xf32>
    %broadcast_in_dim3A = vector.shape_cast %reduce_sum3A_10 : vector<1024xf32> to vector<1024x1xf32>
    %add3A = vector.broadcast %broadcast_in_dim3A : vector<1024x1xf32> to vector<1024x4096xf32>
    %add3A_11 = arith.addf %dot_general3A_8, %add3A : vector<1024x4096xf32>
    %reduce_min3A = arith.constant dense<0x7F800000> : vector<4096xf32>
    %reduce_min3A_12 = vector.multi_reduction <minimumf>, %add3A_11, %reduce_min3A [0] : vector<1024x4096xf32> to vector<4096xf32>
    %broadcast_in_dim3A_13 = vector.shape_cast %reduce_min3A_12 : vector<4096xf32> to vector<1x4096xf32>
    %iota3A = tpu.iota {dimensions = array<i32: 0>} : vector<1024x4096xi32>
    %convert_element_type3A_14 = arith.sitofp %iota3A : vector<1024x4096xi32> to vector<1024x4096xf32>
    %eq3A = vector.broadcast %broadcast_in_dim3A_13 : vector<1x4096xf32> to vector<1024x4096xf32>
    %eq3A_15 = arith.cmpf oeq, %add3A_11, %eq3A : vector<1024x4096xf32>
    %jit3A = arith.constant 1.024000e+03 : f32
    %broadcast_in_dim3A_16 = vector.broadcast %jit3A : f32 to vector<1024x4096xf32>
    %select_n3A = arith.select %eq3A_15, %convert_element_type3A_14, %broadcast_in_dim3A_16 : vector<1024x4096xi1>, vector<1024x4096xf32>
    %reduce_min3A_17 = arith.constant dense<0x7F800000> : vector<4096xf32>
    %reduce_min3A_18 = vector.multi_reduction <minimumf>, %select_n3A, %reduce_min3A_17 [0] : vector<1024x4096xf32> to vector<4096xf32>
    %broadcast_in_dim3A_19 = vector.shape_cast %reduce_min3A_18 : vector<4096xf32> to vector<1x4096xf32>
    %convert_element_type3A_20 = arith.fptosi %broadcast_in_dim3A_19 : vector<1x4096xf32> to vector<1x4096xi32>
    %swap3A = arith.constant 0 : index
    %swap3A_21 = arith.constant 0 : index
    %swap3A_22 = arith.constant 0 : index
    %swap3A_23 = vector.load %arg3[%swap3A, %swap3A_21, %swap3A_22] : memref<1x1x4096xi32, #tpu.memory_space<vmem>>, vector<1x1x4096xi32>
    %swap3A_24 = vector.shape_cast %swap3A_23 : vector<1x1x4096xi32> to vector<1x4096xi32>
    %swap3A_25 = vector.shape_cast %convert_element_type3A_20 : vector<1x4096xi32> to vector<1x1x4096xi32>
    tpu.vector_store %arg3[%swap3A, %swap3A_21, %swap3A_22], %swap3A_25 {strides = array<i32>} : memref<1x1x4096xi32, #tpu.memory_space<vmem>>, vector<1x1x4096xi32>,
    %mul3A_26 = arith.mulf %get3A_1, %get3A_1 : vector<4096x256xf32>
    %reduce_sum3A_27 = vector.shape_cast %mul3A_26 : vector<4096x256xf32> to vector<1x4096x256xf32>
    %reduce_sum3A_28 = arith.constant dense<0.000000e+00> : vector<1xf32>
    %reduce_sum3A_29 = vector.multi_reduction <add>, %reduce_sum3A_27, %reduce_sum3A_28 [1, 2] : vector<1x4096x256xf32> to vector<1xf32>
    %reduce_sum3A_30 = vector.shape_cast %reduce_sum3A_29 : vector<1xf32> to vector<1x1x1xf32>
    %reduce_sum3A_31 = vector.extract %reduce_sum3A_30[0, 0, 0] : f32 from vector<1x1x1xf32>
    %reduce_sum3A_32 = vector.shape_cast %broadcast_in_dim3A_13 : vector<1x4096xf32> to vector<1x1x4096xf32>
    %reduce_sum3A_33 = arith.constant dense<0.000000e+00> : vector<1xf32>
    %reduce_sum3A_34 = vector.multi_reduction <add>, %reduce_sum3A_32, %reduce_sum3A_33 [1, 2] : vector<1x1x4096xf32> to vector<1xf32>
    %reduce_sum3A_35 = vector.shape_cast %reduce_sum3A_34 : vector<1xf32> to vector<1x1x1xf32>
    %reduce_sum3A_36 = vector.extract %reduce_sum3A_35[0, 0, 0] : f32 from vector<1x1x1xf32>
    %add3A_37 = arith.addf %reduce_sum3A_31, %reduce_sum3A_36 : f32
    %mul3A_38 = arith.constant 6.10351563E-5 : f32
    %mul3A_39 = arith.mulf %add3A_37, %mul3A_38 : f32
    %reshape3A = vector.broadcast %mul3A_39 : f32 to vector<1x1x1xf32>
    %swap3A_40 = arith.constant 0 : index
    %swap3A_41 = arith.constant 0 : index
    %swap3A_42 = arith.constant 0 : index
    %swap3A_43 = vector.load %arg4[%swap3A_40, %swap3A_41, %swap3A_42] : memref<1x1x1xf32, #tpu.memory_space<vmem>>, vector<1x1x1xf32>
    tpu.vector_store %arg4[%swap3A_40, %swap3A_41, %swap3A_42], %reshape3A {strides = array<i32>} : memref<1x1x1xf32, #tpu.memory_space<vmem>>, vector<1x1x1xf32>,
    return
  }
  func.func @transform_0(%arg0: i32) -> (i32, i32) {
    %c0_i32 = arith.constant 0 : i32
    %c0_i32_0 = arith.constant 0 : i32
    return %arg0, %c0_i32 : i32, i32
  }
  func.func @transform_1(%arg0: i32) -> (i32, i32) {
    %c0_i32 = arith.constant 0 : i32
    %c0_i32_0 = arith.constant 0 : i32
    %c0_i32_1 = arith.constant 0 : i32
    return %c0_i32, %c0_i32_0 : i32, i32
  }
  func.func @transform_2(%arg0: i32) -> (i32, i32, i32) {
    %c0_i32 = arith.constant 0 : i32
    %c0_i32_0 = arith.constant 0 : i32
    %c0_i32_1 = arith.constant 0 : i32
    return %arg0, %c0_i32, %c0_i32_0 : i32, i32, i32
  }
  func.func @transform_3(%arg0: i32) -> (i32, i32, i32) {
    %c0_i32 = arith.constant 0 : i32
    %c0_i32_0 = arith.constant 0 : i32
    %c0_i32_1 = arith.constant 0 : i32
    return %arg0, %c0_i32, %c0_i32_0 : i32, i32, i32
  }
}

</mosaic_0001>

<sc_bundles>
// kernel: kernel.4.cloned.1.call-start
scs
__scs_entry_jumppad:
0x0: {  	(pc) =	sbr.rel $0x88, $3  }
0x1: {  	(tag) =	ssettag $0x0;
	lr =	simm.s32 $0x1  }
0x2: {  	[smem:$0x3F9F] =	sst lr;
	_ =	strace $0xD0000000  }
0x3: {  	_ = 	snop  }
0x4: {  	_ = 	snop  }
0x5: {  	_ = 	snop  }
0x6: {  	_ = 	snop  }
0x7: {  	_ = 	snop  }
__scs_overlays_trampoline_lowered:
0x8: {  	[smem:$0x3FAE] =	sst s0  }
0x9: {  	[smem:$0x3FAF] =	sst s1  }
0xa: {  	[smem:$0x3FB0] =	sst s2  }
0xb: {  	[smem:$0x3FB1] =	sst s3  }
0xc: {  	[smem:$0x3FB2] =	sst s4  }
0xd: {  	[smem:$0x3FB3] =	sst s5  }
0xe: {  	[smem:$0x3FB4] =	sst s6  }
0xf: {  	[smem:$0x3FB5] =	sst s7  }
0x10: {  	[smem:$0x3FB6] =	sst s8  }
0x11: {  	[smem:$0x3FB7] =	sst s9;
	s0 =	simm.s32 @!p0 $0x0  }
0x12: {  	s1 =	sld [smem:$0x3F9D];
	s0 =	simm.s32 @p0 $0x1  }
0x13: {  	[smem:$0x3FB8] =	sst s0;
	s0 =	simm.s32 @!p1 $0x0  }
0x14: {  	s2 =	sld [smem:$0x3F9C];
	s0 =	simm.s32 @p1 $0x1  }
0x15: {  	[smem:$0x3FB9] =	sst s0;
	s0 =	simm.s32 @!p2 $0x0  }
0x16: {  	s3 =	sld [smem:$0x3FDB];
	s0 =	simm.s32 @p2 $0x1  }
0x17: {  	s4 =	simm.s32 $0x1BF5;
	[smem:$0x3FBB] =	sst s0  }
0x18: {  	s0 =	sld [smem:$0x3F9E];
	_ =	swait.ge [sflag:s4], $0x0  }
0x19: {  	s7 =	sld [smem:$0x3F9F]  }
0x1a: {  	s8 =	sadd.s32 $0xFFFFE003, lr  }
0x1b: {  	s9 =	sadd.s32 $0xFFFFFEF7, lr;
	s5 =	simm.s32 $0xFFFFFFFF;
	p2 =	slt.u32 s8, $0xFFFFF086  }
0x1c: {  	p1 =	slt.u32 s9, $0xF7A;
	s5 =	simm.s32 @!p2 $0x0  }
0x1d: {  	s5 =	simm.s32 @p1 $0x1;
	p0 =	seq.s32 s7, s2  }
0x1e: {  	s7 =	smul.u32 @!p0 $0xF7A, s2;
	p2 =	seq.s32 @!p0 s5, $0x0  }
0x1f: {  	s9 =	smul.u32 $0xF7A, s1;
	s8 =	simm.s32 @!p0 $0x1BF5;
	p2 =	por !p2, p0  }
0x20: {  	[sflag:s8] =	ssyncset.s32 @!p0 $0xFFFFF086;
	s6 =	sadd.s32 @!p0 s3, s7;
	s7 =	simm.s32 @!p0 $0x108  }
0x21: {  	s3 =	sadd.s32 s3, s9;
	s6 =	sadd.s32 @!p0 $0x88, s6;
	s7 =	simm.s32 @p2 $0x1082  }
0x22: {  	[simem:s7], [sflag:s8] =	dma.local @!p0 [hbm:s6], $0xF7A  }
0x23: {  	s9 =	sor.u32 $0xD0000000, s2;
	s6 =	simm.s32 $0x108;
	_ =	swait.ge @!p0 [sflag:s8], $0x0  }
0x24: {  	s3 =	sadd.s32 $0x88, s3;
	s6 =	simm.s32 @!p1 $0x1082;
	[sflag:s4] =	ssyncset.s32 $0xFFFFF086  }
0x25: {  	[simem:s6], [sflag:s4] =	dma.local [hbm:s3], $0xF7A  }
0x26: {  	[smem:$0x3F9F] =	sst s1;
	(tag) =	ssettag s2;
	_ =	strace s9  }
0x27: {  	s1 =	sld [smem:$0x3FAF]  }
0x28: {  	s2 =	sld [smem:$0x3FB0]  }
0x29: {  	s4 =	sld [smem:$0x3FB2]  }
0x2a: {  	p0 =	seq.s32 s5, $0x0;
	s5 =	sld [smem:$0x3FB3]  }
0x2b: {  	s6 =	sld [smem:$0x3FB4]  }
0x2c: {  	s7 =	sld [smem:$0x3FB5]  }
0x2d: {  	s3 =	simm.s32 $0x108;
	s8 =	sld [smem:$0x3FB6]  }
0x2e: {  	s3 =	simm.s32 @!p0 $0x1082;
	s9 =	sld [smem:$0x3FB7]  }
0x2f: {  	lr =	sadd.s32 s0, s3;
	s0 =	sld [smem:$0x3FAE]  }
0x30: {  	s3 =	sld [smem:$0x3FB1]  }
0x31: {  	[smem:$0x3FBA] =	sst s10  }
0x32: {  	s10 =	sld [smem:$0x3FB8];
	_ =	sdelay $0x3  }
0x33: {  	p0 =	seq.s32 s10, $0x1;
	s10 =	sld [smem:$0x3FBA];
	_ =	sdelay $0x3  }
0x34: {  	[smem:$0x3FBA] =	sst s10  }
0x35: {  	s10 =	sld [smem:$0x3FB9];
	_ =	sdelay $0x3  }
0x36: {  	p1 =	seq.s32 s10, $0x1;
	s10 =	sld [smem:$0x3FBA];
	_ =	sdelay $0x3  }
0x37: {  	[smem:$0x3FBA] =	sst s10  }
0x38: {  	s10 =	sld [smem:$0x3FBB]  }
0x39: {  	_ = 	snop;
	(pc) =	sbr.ind lr, $3  }
0x3a: {  	_ = 	snop  }
0x3b: {  	_ = 	snop  }
0x3c: {  	p2 =	seq.s32 s10, $0x1;
	s10 =	sld [smem:$0x3FBA]  }
0x3d: {  	_ =	shalt  }
0x3e: {  	_ =	shalt  }
0x3f: {  	_ =	shalt  }
0x40: {  	_ =	shalt  }
0x41: {  	_ =	shalt  }
0x42: {  	_ =	shalt  }
0x43: {  	_ =	shalt  }
0x44: {  	_ =	shalt  }
0x45: {  	_ =	shalt  }
0x46: {  	_ =	shalt  }
0x47: {  	_ =	shalt  }
0x48: {  	_ =	shalt  }
0x49: {  	_ =	shalt  }
0x4a: {  	_ =	shalt  }
0x4b: {  	_ =	shalt  }
0x4c: {  	_ =	shalt  }
0x4d: {  	_ =	shalt  }
0x4e: {  	_ =	shalt  }
0x4f: {  	_ =	shalt  }
0x50: {  	_ =	shalt  }
0x51: {  	_ =	shalt  }
0x52: {  	_ =	shalt  }
0x53: {  	_ =	shalt  }
0x54: {  	_ =	shalt  }
0x55: {  	_ =	shalt  }
0x56: {  	_ =	shalt  }
0x57: {  	_ =	shalt  }
0x58: {  	_ =	shalt  }
0x59: {  	_ =	shalt  }
0x5a: {  	_ =	shalt  }
0x5b: {  	_ =	shalt  }
0x5c: {  	_ =	shalt  }
0x5d: {  	_ =	shalt  }
0x5e: {  	_ =	shalt  }
0x5f: {  	_ =	shalt  }
0x60: {  	_ =	shalt  }
0x61: {  	_ =	shalt  }
0x62: {  	_ =	shalt  }
0x63: {  	_ =	shalt  }
0x64: {  	_ =	shalt  }
0x65: {  	_ =	shalt  }
0x66: {  	_ =	shalt  }
0x67: {  	_ =	shalt  }
0x68: {  	_ =	shalt  }
0x69: {  	_ =	shalt  }
0x6a: {  	_ =	shalt  }
0x6b: {  	_ =	shalt  }
0x6c: {  	_ =	shalt  }
0x6d: {  	_ =	shalt  }
0x6e: {  	_ =	shalt  }
0x6f: {  	_ =	shalt  }
0x70: {  	_ =	shalt  }
0x71: {  	_ =	shalt  }
0x72: {  	_ =	shalt  }
0x73: {  	_ =	shalt  }
0x74: {  	_ =	shalt  }
0x75: {  	_ =	shalt  }
0x76: {  	_ =	shalt  }
0x77: {  	_ =	shalt  }
0x78: {  	_ =	shalt  }
0x79: {  	_ =	shalt  }
0x7a: {  	_ =	shalt  }
0x7b: {  	_ =	shalt  }
0x7c: {  	_ =	shalt  }
0x7d: {  	_ =	shalt  }
0x7e: {  	_ =	shalt  }
0x7f: {  	_ =	shalt  }
0x80: {  	_ =	shalt  }
0x81: {  	_ =	shalt  }
0x82: {  	_ =	shalt  }
0x83: {  	_ =	shalt  }
0x84: {  	_ =	shalt  }
0x85: {  	_ =	shalt  }
0x86: {  	_ =	shalt  }
0x87: {  	_ =	shalt  }
.Lfunc_end0:
.L_simem_size_0:
called_computation_lowered:
.L_overlay_start_0:
0x88: {  	s2 =	sld [smem:$0x3FD9]  }
0x89: {  	s3 =	sld [smem:$0x3FFE];
	_ =	sdelay $0x1  }
0x8a: {  	s1 =	srdreg.scid  }
0x8b: {  	s0 =	sand.u32 $0x1, s1  }
0x8c: {  	s14 =	sshll.u32 s0, $0xA;
	s2 =	sadd.s32 s3, s2  }
0x8d: {  	s2 =	sadd.s32 s2, s14  }
0x8e: {  	[smem:$0x3FC6] =	sst s2  }
0x8f: {  	_ = 	snop  }
0x90: {  	s2 =	sld [smem:$0x3FD0];
	_ =	sdelay $0x1  }
0x91: {  	s15 =	sld [smem:$0x3FC9]  }
0x92: {  	s5 =	simm.s32 $0xA;
	s6 =	simm.s32 $0x10;
	s4 =	sld [smem:$0x3FC8]  }
0x93: {  	[smem:s6], [sflag:s5] =	dma.local [hbm:s2], $0x1  }
0x94: {  	_ =	swait.eq [sflag:s5], $0x1  }
0x95: {  	[sflag:s5] =	ssyncset.done $0x0  }
0x96: {  	[sflag:s5] =	ssyncadd.s32 $0xFFFFFFFF  }
0x97: {  	s16 =	sld [smem:$0x10];
	(tm) =	ssettm $0x1  }
0x98: {  	s17 =	sld [smem:$0x3FFB];
	_ =	sdelay $0x3  }
0x99: {  	_ =	strace s17  }
0x9a: {  	s5 =	sld [smem:$0x3FFC];
	_ =	sdelay $0x3  }
0x9b: {  	_ =	strace s5  }
0x9c: {  	s5 =	sld [smem:$0x3FFD];
	_ =	sdelay $0x3  }
0x9d: {  	_ =	strace s5  }
0x9e: {  	_ =	strace $0x8FFFFFFF  }
0x9f: {  	s18 =	sld [smem:$0x3FDB];
	_ =	sdelay $0x1  }
0xa0: {  	s19 =	simm.s32 $_scs_section_size  }
0xa1: {  	s7 =	simm.s32 $_size__tile_overlayer_lowered;
	s8 =	simm.s32 $_tile_overlayer_lowered  }
0xa2: {  	s22 =	simm.s32 $0x1BFF;
	s21 =	sshll.u32 s8, $0x1;
	s5 =	sadd.s32 s19, s18  }
0xa3: {  	s9 =	simm.s32 $0x0;
	s20 =	sshll.u32 s7, $0x1;
	s7 =	sadd.s32 s21, s5  }
0xa4: {  	[timem:s9], [sflag:s22] =	dma.local [hbm:s7], s20  }
0xa5: {  	_ =	swait.ge [sflag:s22], s20  }
0xa6: {  	s6 =	ssub.s32 $0x0, s20;
	[sflag:s22] =	ssyncset.done $0x0  }
0xa7: {  	[sflag:s22] =	ssyncadd.s32 s6;
	_ =	sdelay $0x1  }
0xa8: {  	s23 =	simm.s32 $0x1B8B  }
0xa9: {  	_ =	swait.ge [sflag:s23], $0x1  }
0xaa: {  	[sflag:s23] =	ssyncset.done $0x0  }
0xab: {  	s25 =	simm.s32 $0x1B8E;
	s24 =	sld [smem:$0x3FFE];
	[sflag:s23] =	ssyncadd.s32 $0xFFFFFFFF  }
0xac: {  	s26 =	simm.s32 $execute0_lowered;
	[smem:$0x3FD2] =	sst s25  }
0xad: {  	s7 =	sshll.u32 s26, $0x1;
	_ =	strace $0x80000046;
	[dreg:$0x1] =	wrdreg $0xFFFFFFFF  }
0xae: {  	s28 =	simm.s32 $_size_execute0_lowered;
	s5 =	sadd.s32 s5, s7;
	[dreg:$0x0] =	wrdreg $0x0  }
0xaf: {  	s7 =	sshll.u32 s28, $0x1;
	[dreg:$0x2] =	wrdreg s5  }
0xb0: {  	[dreg:$0x3] =	wrdreg s7  }
0xb1: {  	[dreg:$0x4] =	wrdreg $0xC0  }
0xb2: {  	_ =	task [dreg:s9], $0x5FFFF  }
0xb3: {  	[dreg:$0x1] =	wrdreg $0xFFFFFFFF  }
0xb4: {  	[dreg:$0x0] =	wrdreg $0x60  }
0xb5: {  	[dreg:$0x2] =	wrdreg s15  }
0xb6: {  	[dreg:$0x3] =	wrdreg s4  }
0xb7: {  	[dreg:$0x4] =	wrdreg s16  }
0xb8: {  	[dreg:$0x5] =	wrdreg s24  }
0xb9: {  	[dreg:$0x6] =	wrdreg $0x9  }
0xba: {  	_ =	task.clear_ibuf [dreg:s9], $0x7FFFF;
	_ =	strace $0x90000046  }
0xbb: {  	s29 =	simm.s32 $0x9;
	_ =	strace $0x80000048  }
0xbc: {  	_ =	swait.ge [sflag:s29], $0x1  }
0xbd: {  	[sflag:s29] =	ssyncadd.s32 $0xFFFFFFFF  }
0xbe: {  	_ =	strace $0x90000048  }
0xbf: {  	_ =	sfence  }
0xc0: {  	s30 =	sld [smem:$0x0];
	_ =	sdelay $0x2  }
0xc1: {  	s31 =	sshll.u32 s1, $0xD;
	s1 =	sshrl.u32 s1, $0x2  }
0xc2: {  	s3 =	sand.u32 $0x4000, s31;
	s1 =	sadd.s32 s1, s30  }
0xc3: {  	s0 =	sor.u32 s3, s0;
	s1 =	sshll.u32 s1, $0x11  }
0xc4: {  	s0 =	sor.u32 s1, s0  }
0xc5: {  	s0 =	sadd.s32 $0x8F2B, s0  }
0xc6: {  	[sflag:s0] =	ssyncadd.remote.s32 $0x1  }
0xc7: {  	_ =	sfence.sel $0xFFFF  }
0xc8: {  	[dreg:$0x0] =	wrdreg $0xFFFFFFFF;
	(pc) =	sbr.abs _section_cstart, $3  }
0xc9: {  	[dreg:$0x1] =	wrdreg $0xFFFFFFFF  }
0xca: {  	_ =	task.clear_ibuf [dreg:s9], $0x2FFFF;
	_ =	strace $0x9FFFFFFF  }
0xcb: {  	(tm) =	ssettm $0x7FFFFFFF  }
tec
execute0_lowered:
.L_overlay_start_1:
0x0: {  	(tag) =	ssettag $0x1  }
0x1: {  	s1 =	rddreg [dreg:$0x0]  }
0x2: {  	s2 =	rddreg [dreg:$0x1]  }
0x3: {  	s4 =	rddreg [dreg:$0x2]  }
0x4: {  	s6 =	rddreg [dreg:$0x3]  }
0x5: {  	s0 =	rddreg [dreg:$0x4]  }
0x6: {  	s7 =	srdreg.scid;
	s3 =	stileid.u32  }
0x7: {  	s5 =	simm.s32 $0x0;
	s11 =	simm.s32 $0x880;
	s12 =	simm.s32 $0x1080  }
0x8: {  	s13 =	simm.s32 $0x1880;
	s14 =	simm.s32 $0x2080;
	s15 =	simm.s32 $0x2880  }
0x9: {  	s16 =	simm.s32 $0x3080;
	s17 =	simm.s32 $0x3880;
	s18 =	simm.s32 $0x1  }
0xa: {  	s19 =	simm.s32 $0x4080;
	s7 =	sand.u32 $0x1, s7;
	s8 =	sshll.u32 s3, $0x1  }
0xb: {  	s20 =	simm.s32 $0x8080;
	s21 =	simm.s32 $0x0;
	s8 =	sor.u32 s7, s8  }
0xc: {  	[smem:$0x7FF] =	sst s5;
	s7 =	ssub.s32 $0x2, s7;
	s9 =	sshll.u32 s8, $0x4  }
0xd: {  	v3 =	vlaneseq.u32;
	_ =	strace $0x80000047;
	s10 =	sshrl.u32 s7, $0x1;
	s9 =	sadd.s32 s9, s6  }
0xe: {  	v0 =	vimm.f32 $0.0e+00;
	vm0 =	vmmov $0xffff;
	v2 =	vshrl.u32 v3, $0x3;
	s10 =	ssub.s32 s7, s10;
	s6 =	sshll.u32 s8, $0x9;
	s7 =	sadd.s32 $0x600, s9  }
0xf: {  	v1 =	vand.u32 $0x7, v3;
	v3 =	vor.u32 $0x8, v3;
	v2 =	vmul.u32 $0x8, v2;
	s8 =	smax.u32 s10, $0x1;
	s9 =	simm.s32 $0x2;
	s10 =	simm.s32 $0x80  }
.LBB2_1:
0x10: {  	[tilespmem:$0x8080] =	vst v0;
	s22 =	simm.s32 $0x0  }
.LBB2_2:
0x11: {  	s23 =	sshll.u32 s22, $0x6  }
0x12: {  	s24 =	sadd.s32 s6, s23  }
0x13: {  	s23 =	sshrl.u32 s24, $0x3  }
0x14: {  	s25 =	sadd.s32 s4, s23;
	s23 =	simm.s32 $0x0  }
0x15: {  	[tilespmem:s23], [sflag:$0x2] =	stream.linear.gather [hbm4b:s25+s23], $0x40, $0x38;
	[tilespmem:$0x8100] =	vst v63  }
0x16: {  	_ =	swait.ge [sflag:s9], $0x40  }
0x17: {  	[sflag:s9] =	ssyncset.done $0x0  }
0x18: {  	[sflag:s9] =	ssyncadd.s32 $0xFFFFFFC0  }
0x19: {  	v4 =	vld [tilespmem:$0x0];
	_ =	sdelay $0x4  }
0x1a: {  	v5 =	vshll.u32 v4, $0x1  }
0x1b: {  	v4 =	vand.u32 $0x7, v4;
	v5 =	vand.u32 $0xFFFFFFF0, v5  }
0x1c: {  	v4 =	vor.u32 v4, v5  }
0x1d: {  	v5 =	vperm.xlane v4, v1;
	_ =	sdelay $0x1  }
0x1e: {  	v4 =	vperm.xlane v4, v3;
	v5 =	vadd.s32 v2, v5;
	_ =	sdelay $0x1  }
0x1f: {  	v4 =	vadd.s32 v2, v4;
	_ =	sdelay $0x2  }
0x20: {  	[tilespmem:s10], [sflag:$0x1] =	stream.indirect_vreg.gather [hbm4b:s2+s23], $0x80, v5, vm0, $0xb8;
	[tilespmem:$0x8100] =	vst v63  }
0x21: {  	_ = 	snop  }
0x22: {  	[tilespmem:s11], [sflag:$0x1] =	stream.indirect_vreg.gather [hbm4b:s2+s23], $0x80, v4, vm0, $0xb8;
	[tilespmem:$0x8100] =	vst v63  }
0x23: {  	v4 =	vld [tilespmem:$0x10];
	_ =	sdelay $0x4  }
0x24: {  	v5 =	vshll.u32 v4, $0x1  }
0x25: {  	v4 =	vand.u32 $0x7, v4;
	v5 =	vand.u32 $0xFFFFFFF0, v5  }
0x26: {  	v4 =	vor.u32 v4, v5  }
0x27: {  	v5 =	vperm.xlane v4, v1;
	_ =	sdelay $0x1  }
0x28: {  	v4 =	vperm.xlane v4, v3;
	v5 =	vadd.s32 v2, v5;
	_ =	sdelay $0x1  }
0x29: {  	v4 =	vadd.s32 v2, v4;
	_ =	sdelay $0x2  }
0x2a: {  	[tilespmem:s12], [sflag:$0x1] =	stream.indirect_vreg.gather [hbm4b:s2+s23], $0x80, v5, vm0, $0xb8;
	[tilespmem:$0x8100] =	vst v63  }
0x2b: {  	_ = 	snop  }
0x2c: {  	[tilespmem:s13], [sflag:$0x1] =	stream.indirect_vreg.gather [hbm4b:s2+s23], $0x80, v4, vm0, $0xb8;
	[tilespmem:$0x8100] =	vst v63  }
0x2d: {  	v4 =	vld [tilespmem:$0x20];
	_ =	sdelay $0x4  }
0x2e: {  	v5 =	vshll.u32 v4, $0x1  }
0x2f: {  	v4 =	vand.u32 $0x7, v4;
	v5 =	vand.u32 $0xFFFFFFF0, v5  }
0x30: {  	v4 =	vor.u32 v4, v5  }
0x31: {  	v5 =	vperm.xlane v4, v1;
	_ =	sdelay $0x1  }
0x32: {  	v4 =	vperm.xlane v4, v3;
	v5 =	vadd.s32 v2, v5;
	_ =	sdelay $0x1  }
0x33: {  	v4 =	vadd.s32 v2, v4;
	_ =	sdelay $0x2  }
0x34: {  	[tilespmem:s14], [sflag:$0x1] =	stream.indirect_vreg.gather [hbm4b:s2+s23], $0x80, v5, vm0, $0xb8;
	[tilespmem:$0x8100] =	vst v63  }
0x35: {  	_ = 	snop  }
0x36: {  	[tilespmem:s15], [sflag:$0x1] =	stream.indirect_vreg.gather [hbm4b:s2+s23], $0x80, v4, vm0, $0xb8;
	[tilespmem:$0x8100] =	vst v63  }
0x37: {  	v4 =	vld [tilespmem:$0x30];
	_ =	sdelay $0x4  }
0x38: {  	v5 =	vshll.u32 v4, $0x1  }
0x39: {  	v4 =	vand.u32 $0x7, v4;
	v5 =	vand.u32 $0xFFFFFFF0, v5  }
0x3a: {  	v4 =	vor.u32 v4, v5  }
0x3b: {  	v5 =	vperm.xlane v4, v1;
	_ =	sdelay $0x1  }
0x3c: {  	v4 =	vperm.xlane v4, v3;
	v5 =	vadd.s32 v2, v5;
	_ =	sdelay $0x1  }
0x3d: {  	v4 =	vadd.s32 v2, v4;
	_ =	sdelay $0x2  }
0x3e: {  	[tilespmem:s16], [sflag:$0x1] =	stream.indirect_vreg.gather [hbm4b:s2+s23], $0x80, v5, vm0, $0xb8;
	[tilespmem:$0x8100] =	vst v63  }
0x3f: {  	_ = 	snop  }
0x40: {  	[tilespmem:s17], [sflag:$0x1] =	stream.indirect_vreg.gather [hbm4b:s2+s23], $0x80, v4, vm0, $0xb8;
	[tilespmem:$0x8100] =	vst v63  }
0x41: {  	_ =	swait.ge [sflag:s18], $0x4000  }
0x42: {  	s24 =	sshll.u32 s24, $0x5;
	[sflag:s18] =	ssyncset.done $0x0  }
0x43: {  	s24 =	sadd.s32 s1, s24;
	[sflag:s18] =	ssyncadd.s32 $0xFFFFC000  }
0x44: {  	[tilespmem:s19], [sflag:$0x2] =	stream.linear.gather [hbm4b:s24+s23], $0x4000, $0x38;
	[tilespmem:$0x8100] =	vst v63  }
0x45: {  	_ =	swait.ge [sflag:s9], $0x4000  }
0x46: {  	s30 =	sand.u32 $0x3800, s23;
	s31 =	sand.u32 $0x380, s23;
	[sflag:s9] =	ssyncset.done $0x0  }
0x47: {  	s24 =	sor.u32 s31, s30;
	[sflag:s9] =	ssyncadd.s32 $0xFFFFC000  }
0x48: {  	v4 =	vld [tilespmem:s24+$0x4080]  }
0x49: {  	v5 =	vld [tilespmem:s24+$0x80];
	_ =	sdelay $0x3  }
0x4a: {  	v6 =	vld [tilespmem:$0x8080]  }
0x4b: {  	v4 =	vsub.f32 v4, v5;
	_ =	sdelay $0x1  }
0x4c: {  	v4 =	vmul.f32 v4, v4;
	_ =	sdelay $0x1  }
0x4d: {  	v4 =	vadd.f32 v4, v6;
	_ =	sdelay $0x1  }
0x4e: {  	[tilespmem:$0x8080] =	vst v4  }
0x4f: {  	v5 =	vld [tilespmem:s24+$0x4090]  }
0x50: {  	v6 =	vld [tilespmem:s24+$0x90];
	_ =	sdelay $0x4  }
0x51: {  	v5 =	vsub.f32 v5, v6;
	_ =	sdelay $0x1  }
0x52: {  	v5 =	vmul.f32 v5, v5;
	_ =	sdelay $0x1  }
0x53: {  	v4 =	vadd.f32 v5, v4;
	_ =	sdelay $0x1  }
0x54: {  	[tilespmem:$0x8080] =	vst v4  }
0x55: {  	v5 =	vld [tilespmem:s24+$0x40A0]  }
0x56: {  	v6 =	vld [tilespmem:s24+$0xA0];
	_ =	sdelay $0x4  }
0x57: {  	v5 =	vsub.f32 v5, v6;
	_ =	sdelay $0x1  }
0x58: {  	v5 =	vmul.f32 v5, v5;
	_ =	sdelay $0x1  }
0x59: {  	v4 =	vadd.f32 v5, v4;
	_ =	sdelay $0x1  }
0x5a: {  	[tilespmem:$0x8080] =	vst v4  }
0x5b: {  	v5 =	vld [tilespmem:s24+$0x40B0]  }
0x5c: {  	v6 =	vld [tilespmem:s24+$0xB0];
	_ =	sdelay $0x4  }
0x5d: {  	v5 =	vsub.f32 v5, v6;
	_ =	sdelay $0x1  }
0x5e: {  	v5 =	vmul.f32 v5, v5;
	_ =	sdelay $0x1  }
0x5f: {  	v4 =	vadd.f32 v5, v4;
	_ =	sdelay $0x1  }
0x60: {  	[tilespmem:$0x8080] =	vst v4  }
0x61: {  	v5 =	vld [tilespmem:s24+$0x40C0]  }
0x62: {  	v6 =	vld [tilespmem:s24+$0xC0];
	_ =	sdelay $0x4  }
0x63: {  	v5 =	vsub.f32 v5, v6;
	_ =	sdelay $0x1  }
0x64: {  	v5 =	vmul.f32 v5, v5;
	_ =	sdelay $0x1  }
0x65: {  	v4 =	vadd.f32 v5, v4;
	_ =	sdelay $0x1  }
0x66: {  	[tilespmem:$0x8080] =	vst v4  }
0x67: {  	v5 =	vld [tilespmem:s24+$0x40D0]  }
0x68: {  	v6 =	vld [tilespmem:s24+$0xD0];
	_ =	sdelay $0x4  }
0x69: {  	v5 =	vsub.f32 v5, v6;
	_ =	sdelay $0x1  }
0x6a: {  	v5 =	vmul.f32 v5, v5;
	_ =	sdelay $0x1  }
0x6b: {  	v4 =	vadd.f32 v5, v4;
	_ =	sdelay $0x1  }
0x6c: {  	[tilespmem:$0x8080] =	vst v4  }
0x6d: {  	v5 =	vld [tilespmem:s24+$0x40E0]  }
0x6e: {  	v6 =	vld [tilespmem:s24+$0xE0];
	_ =	sdelay $0x4  }
0x6f: {  	v5 =	vsub.f32 v5, v6;
	_ =	sdelay $0x1  }
0x70: {  	v5 =	vmul.f32 v5, v5;
	_ =	sdelay $0x1  }
0x71: {  	v4 =	vadd.f32 v5, v4;
	_ =	sdelay $0x1  }
0x72: {  	[tilespmem:$0x8080] =	vst v4  }
0x73: {  	v5 =	vld [tilespmem:s24+$0x40F0]  }
0x74: {  	v6 =	vld [tilespmem:s24+$0xF0];
	_ =	sdelay $0x4  }
0x75: {  	v5 =	vsub.f32 v5, v6;
	_ =	sdelay $0x1  }
0x76: {  	v5 =	vmul.f32 v5, v5;
	_ =	sdelay $0x1  }
0x77: {  	v4 =	vadd.f32 v5, v4;
	_ =	sdelay $0x1  }
0x78: {  	[tilespmem:$0x8080] =	vst v4  }
0x79: {  	v5 =	vld [tilespmem:s24+$0x4480]  }
0x7a: {  	v6 =	vld [tilespmem:s24+$0x480];
	_ =	sdelay $0x4  }
0x7b: {  	v5 =	vsub.f32 v5, v6;
	_ =	sdelay $0x1  }
0x7c: {  	v5 =	vmul.f32 v5, v5;
	_ =	sdelay $0x1  }
0x7d: {  	v4 =	vadd.f32 v5, v4;
	_ =	sdelay $0x1  }
0x7e: {  	[tilespmem:$0x8080] =	vst v4  }
0x7f: {  	v5 =	vld [tilespmem:s24+$0x4490]  }
0x80: {  	v6 =	vld [tilespmem:s24+$0x490];
	_ =	sdelay $0x4  }
0x81: {  	v5 =	vsub.f32 v5, v6;
	_ =	sdelay $0x1  }
0x82: {  	v5 =	vmul.f32 v5, v5;
	_ =	sdelay $0x1  }
0x83: {  	v4 =	vadd.f32 v5, v4;
	_ =	sdelay $0x1  }
0x84: {  	[tilespmem:$0x8080] =	vst v4  }
0x85: {  	v5 =	vld [tilespmem:s24+$0x44A0]  }
0x86: {  	v6 =	vld [tilespmem:s24+$0x4A0];
	_ =	sdelay $0x4  }
0x87: {  	v5 =	vsub.f32 v5, v6;
	_ =	sdelay $0x1  }
0x88: {  	v5 =	vmul.f32 v5, v5;
	_ =	sdelay $0x1  }
0x89: {  	v4 =	vadd.f32 v5, v4;
	_ =	sdelay $0x1  }
0x8a: {  	[tilespmem:$0x8080] =	vst v4  }
0x8b: {  	v5 =	vld [tilespmem:s24+$0x44B0]  }
0x8c: {  	v6 =	vld [tilespmem:s24+$0x4B0];
	_ =	sdelay $0x4  }
0x8d: {  	v5 =	vsub.f32 v5, v6;
	_ =	sdelay $0x1  }
0x8e: {  	v5 =	vmul.f32 v5, v5;
	_ =	sdelay $0x1  }
0x8f: {  	v4 =	vadd.f32 v5, v4;
	_ =	sdelay $0x1  }
0x90: {  	[tilespmem:$0x8080] =	vst v4  }
0x91: {  	v5 =	vld [tilespmem:s24+$0x44C0]  }
0x92: {  	v6 =	vld [tilespmem:s24+$0x4C0];
	_ =	sdelay $0x4  }
0x93: {  	v5 =	vsub.f32 v5, v6;
	_ =	sdelay $0x1  }
0x94: {  	v5 =	vmul.f32 v5, v5;
	_ =	sdelay $0x1  }
0x95: {  	v4 =	vadd.f32 v5, v4;
	_ =	sdelay $0x1  }
0x96: {  	[tilespmem:$0x8080] =	vst v4  }
0x97: {  	v5 =	vld [tilespmem:s24+$0x44D0]  }
0x98: {  	v6 =	vld [tilespmem:s24+$0x4D0];
	_ =	sdelay $0x4  }
0x99: {  	v5 =	vsub.f32 v5, v6;
	_ =	sdelay $0x1  }
0x9a: {  	v5 =	vmul.f32 v5, v5;
	_ =	sdelay $0x1  }
0x9b: {  	v4 =	vadd.f32 v5, v4;
	_ =	sdelay $0x1  }
0x9c: {  	[tilespmem:$0x8080] =	vst v4  }
0x9d: {  	v5 =	vld [tilespmem:s24+$0x44E0]  }
0x9e: {  	v6 =	vld [tilespmem:s24+$0x4E0];
	_ =	sdelay $0x4  }
0x9f: {  	v5 =	vsub.f32 v5, v6;
	_ =	sdelay $0x1  }
0xa0: {  	s25 =	simm.s32 $0x100;
	v5 =	vmul.f32 v5, v5  }
.LBB2_3:
0xa1: {  	p0 =	sne.s32 s25, $0x3F00  }
0xa2: {  	s23 =	sadd.s32 $0x80, s23;
	s26 =	smov.u32 s25;
	s25 =	sadd.s32 $0x100, s25  }
0xa3: {  	v4 =	vadd.f32 v5, v4;
	_ =	sdelay $0x1  }
0xa4: {  	[tilespmem:$0x8080] =	vst v4  }
0xa5: {  	v5 =	vld [tilespmem:s24+$0x44F0]  }
0xa6: {  	v6 =	vld [tilespmem:s24+$0x4F0];
	_ =	sdelay $0x4  }
0xa7: {  	v5 =	vsub.f32 v5, v6;
	_ =	sdelay $0x1  }
0xa8: {  	v5 =	vmul.f32 v5, v5;
	_ =	sdelay $0x1  }
0xa9: {  	v4 =	vadd.f32 v5, v4  }
0xaa: {  	s24 =	sand.u32 $0x3800, s26;
	s26 =	sand.u32 $0x380, s23  }
0xab: {  	s24 =	sor.u32 s26, s24;
	[tilespmem:$0x8080] =	vst v4  }
0xac: {  	v5 =	vld [tilespmem:s24+$0x4080]  }
0xad: {  	v6 =	vld [tilespmem:s24+$0x80];
	_ =	sdelay $0x4  }
0xae: {  	v5 =	vsub.f32 v5, v6;
	_ =	sdelay $0x1  }
0xaf: {  	v5 =	vmul.f32 v5, v5;
	_ =	sdelay $0x1  }
0xb0: {  	v4 =	vadd.f32 v5, v4;
	_ =	sdelay $0x1  }
0xb1: {  	[tilespmem:$0x8080] =	vst v4  }
0xb2: {  	v5 =	vld [tilespmem:s24+$0x4090]  }
0xb3: {  	v6 =	vld [tilespmem:s24+$0x90];
	_ =	sdelay $0x4  }
0xb4: {  	v5 =	vsub.f32 v5, v6;
	_ =	sdelay $0x1  }
0xb5: {  	v5 =	vmul.f32 v5, v5;
	_ =	sdelay $0x1  }
0xb6: {  	v4 =	vadd.f32 v5, v4;
	_ =	sdelay $0x1  }
0xb7: {  	[tilespmem:$0x8080] =	vst v4  }
0xb8: {  	v5 =	vld [tilespmem:s24+$0x40A0]  }
0xb9: {  	v6 =	vld [tilespmem:s24+$0xA0];
	_ =	sdelay $0x4  }
0xba: {  	v5 =	vsub.f32 v5, v6;
	_ =	sdelay $0x1  }
0xbb: {  	v5 =	vmul.f32 v5, v5;
	_ =	sdelay $0x1  }
0xbc: {  	v4 =	vadd.f32 v5, v4;
	_ =	sdelay $0x1  }
0xbd: {  	[tilespmem:$0x8080] =	vst v4  }
0xbe: {  	v5 =	vld [tilespmem:s24+$0x40B0]  }
0xbf: {  	v6 =	vld [tilespmem:s24+$0xB0];
	_ =	sdelay $0x4  }
0xc0: {  	v5 =	vsub.f32 v5, v6;
	_ =	sdelay $0x1  }
0xc1: {  	v5 =	vmul.f32 v5, v5;
	_ =	sdelay $0x1  }
0xc2: {  	v4 =	vadd.f32 v5, v4;
	_ =	sdelay $0x1  }
0xc3: {  	[tilespmem:$0x8080] =	vst v4  }
0xc4: {  	v5 =	vld [tilespmem:s24+$0x40C0]  }
0xc5: {  	v6 =	vld [tilespmem:s24+$0xC0];
	_ =	sdelay $0x4  }
0xc6: {  	v5 =	vsub.f32 v5, v6;
	_ =	sdelay $0x1  }
0xc7: {  	v5 =	vmul.f32 v5, v5;
	_ =	sdelay $0x1  }
0xc8: {  	v4 =	vadd.f32 v5, v4;
	_ =	sdelay $0x1  }
0xc9: {  	[tilespmem:$0x8080] =	vst v4  }
0xca: {  	v5 =	vld [tilespmem:s24+$0x40D0]  }
0xcb: {  	v6 =	vld [tilespmem:s24+$0xD0];
	_ =	sdelay $0x4  }
0xcc: {  	v5 =	vsub.f32 v5, v6;
	_ =	sdelay $0x1  }
0xcd: {  	v5 =	vmul.f32 v5, v5;
	_ =	sdelay $0x1  }
0xce: {  	v4 =	vadd.f32 v5, v4;
	_ =	sdelay $0x1  }
0xcf: {  	[tilespmem:$0x8080] =	vst v4  }
0xd0: {  	v5 =	vld [tilespmem:s24+$0x40E0]  }
0xd1: {  	v6 =	vld [tilespmem:s24+$0xE0];
	_ =	sdelay $0x4  }
0xd2: {  	v5 =	vsub.f32 v5, v6;
	_ =	sdelay $0x1  }
0xd3: {  	v5 =	vmul.f32 v5, v5;
	_ =	sdelay $0x1  }
0xd4: {  	v4 =	vadd.f32 v5, v4;
	_ =	sdelay $0x1  }
0xd5: {  	[tilespmem:$0x8080] =	vst v4  }
0xd6: {  	v5 =	vld [tilespmem:s24+$0x40F0]  }
0xd7: {  	v6 =	vld [tilespmem:s24+$0xF0];
	_ =	sdelay $0x4  }
0xd8: {  	v5 =	vsub.f32 v5, v6;
	_ =	sdelay $0x1  }
0xd9: {  	v5 =	vmul.f32 v5, v5;
	_ =	sdelay $0x1  }
0xda: {  	v4 =	vadd.f32 v5, v4;
	_ =	sdelay $0x1  }
0xdb: {  	[tilespmem:$0x8080] =	vst v4  }
0xdc: {  	v5 =	vld [tilespmem:s24+$0x4480]  }
0xdd: {  	v6 =	vld [tilespmem:s24+$0x480];
	_ =	sdelay $0x4  }
0xde: {  	v5 =	vsub.f32 v5, v6;
	_ =	sdelay $0x1  }
0xdf: {  	v5 =	vmul.f32 v5, v5;
	_ =	sdelay $0x1  }
0xe0: {  	v4 =	vadd.f32 v5, v4;
	_ =	sdelay $0x1  }
0xe1: {  	[tilespmem:$0x8080] =	vst v4  }
0xe2: {  	v5 =	vld [tilespmem:s24+$0x4490]  }
0xe3: {  	v6 =	vld [tilespmem:s24+$0x490];
	_ =	sdelay $0x4  }
0xe4: {  	v5 =	vsub.f32 v5, v6;
	_ =	sdelay $0x1  }
0xe5: {  	v5 =	vmul.f32 v5, v5;
	_ =	sdelay $0x1  }
0xe6: {  	v4 =	vadd.f32 v5, v4;
	_ =	sdelay $0x1  }
0xe7: {  	[tilespmem:$0x8080] =	vst v4  }
0xe8: {  	v5 =	vld [tilespmem:s24+$0x44A0]  }
0xe9: {  	v6 =	vld [tilespmem:s24+$0x4A0];
	_ =	sdelay $0x4  }
0xea: {  	v5 =	vsub.f32 v5, v6;
	_ =	sdelay $0x1  }
0xeb: {  	v5 =	vmul.f32 v5, v5;
	_ =	sdelay $0x1  }
0xec: {  	v4 =	vadd.f32 v5, v4;
	_ =	sdelay $0x1  }
0xed: {  	[tilespmem:$0x8080] =	vst v4  }
0xee: {  	v5 =	vld [tilespmem:s24+$0x44B0]  }
0xef: {  	v6 =	vld [tilespmem:s24+$0x4B0];
	_ =	sdelay $0x4  }
0xf0: {  	v5 =	vsub.f32 v5, v6;
	_ =	sdelay $0x1  }
0xf1: {  	v5 =	vmul.f32 v5, v5;
	_ =	sdelay $0x1  }
0xf2: {  	v4 =	vadd.f32 v5, v4;
	_ =	sdelay $0x1  }
0xf3: {  	[tilespmem:$0x8080] =	vst v4  }
0xf4: {  	v5 =	vld [tilespmem:s24+$0x44C0]  }
0xf5: {  	v6 =	vld [tilespmem:s24+$0x4C0];
	_ =	sdelay $0x4  }
0xf6: {  	v5 =	vsub.f32 v5, v6;
	_ =	sdelay $0x1  }
0xf7: {  	v5 =	vmul.f32 v5, v5;
	_ =	sdelay $0x1  }
0xf8: {  	v4 =	vadd.f32 v5, v4;
	_ =	sdelay $0x1  }
0xf9: {  	[tilespmem:$0x8080] =	vst v4  }
0xfa: {  	v5 =	vld [tilespmem:s24+$0x44D0]  }
0xfb: {  	v6 =	vld [tilespmem:s24+$0x4D0];
	_ =	sdelay $0x4  }
0xfc: {  	v5 =	vsub.f32 v5, v6;
	_ =	sdelay $0x1  }
0xfd: {  	v5 =	vmul.f32 v5, v5;
	_ =	sdelay $0x1  }
0xfe: {  	v4 =	vadd.f32 v5, v4;
	_ =	sdelay $0x1  }
0xff: {  	[tilespmem:$0x8080] =	vst v4  }
0x100: {  	v5 =	vld [tilespmem:s24+$0x44E0]  }
0x101: {  	v6 =	vld [tilespmem:s24+$0x4E0];
	_ =	sdelay $0x2  }
.Ltmp0:
0x102: {  	(pc) =	sbr.rel @p0 .LBB2_3-.Ltmp0, $3  }
0x103: {  	_ = 	snop  }
0x104: {  	v5 =	vsub.f32 v5, v6;
	_ =	sdelay $0x1  }
0x105: {  	v5 =	vmul.f32 v5, v5  }
0x106: {  	_ = 	snop  }
0x107: {  	v4 =	vadd.f32 v5, v4;
	_ =	sdelay $0x1  }
0x108: {  	[tilespmem:$0x8080] =	vst v4  }
0x109: {  	v5 =	vld [tilespmem:s24+$0x44F0]  }
0x10a: {  	v6 =	vld [tilespmem:s24+$0x4F0];
	_ =	sdelay $0x4  }
0x10b: {  	s22 =	sadd.s32 $0x1, s22;
	v5 =	vsub.f32 v5, v6  }
0x10c: {  	p0 =	sne.s32 s22, $0x8  }
.Ltmp1:
0x10d: {  	v5 =	vmul.f32 v5, v5;
	(pc) =	sbr.rel @p0 .LBB2_2-.Ltmp1, $3  }
0x10e: {  	_ = 	snop  }
0x10f: {  	v4 =	vadd.f32 v5, v4;
	_ =	sdelay $0x1  }
0x110: {  	[tilespmem:$0x8080] =	vst v4  }
0x111: {  	s21 =	sadd.s32 $0x1, s21  }
0x112: {  	p0 =	sne.s32 s21, s8  }
.Ltmp2:
0x113: {  	_ = 	snop;
	(pc) =	sbr.rel @p0 .LBB2_1-.Ltmp2, $4  }
0x114: {  	[hbm4b:s7+s5] =	stream.linear.scatter [tilespmem:s20], [sflag:$0x2], $0x80, $0x38;
	[tilespmem:$0x8100] =	vst v63  }
0x115: {  	_ =	swait.ge [sflag:s9], $0x80  }
0x116: {  	[sflag:s9] =	ssyncset.done $0x0  }
0x117: {  	[sflag:s9] =	ssyncadd.s32 $0xFFFFFF80  }
0x118: {  	_ =	sfence.sel $0x180000  }
0x119: {  	[bflag:$0x0] =	sbarrier.arrive $0xFFFF  }
0x11a: {  	p0 =	sne.s32 s3, $0x0;
	_ =	strace $0x90000047  }
0x11b: {  	s0 =	sadd.s32 @!p0 $0x100000, s0;
	[bflag:$0x2] =	sbarrier.arrive $0xFFFF  }
0x11c: {  	[sflag:s0] =	ssyncadd.tile.s32 @!p0 $0x1;
	_ =	shalt  }
.Lfunc_end2:
_tile_overlayer_lowered:
.L_overlay_start_2:
0x11d: {  	(tag) =	ssettag $0x2  }
0x11e: {  	s0 =	rddreg [dreg:$0x0];
	s2 =	stileid.u32  }
0x11f: {  	s1 =	rddreg [dreg:$0x1];
	p0 =	sne.s32 s2, $0x0  }
0x120: {  	s3 =	rddreg [dreg:$0x2];
	[bflag:$0x3] =	sbarrier.arrive $0xFFFF;
	s2 =	simm.s32 @!p0 $0x1C02  }
0x121: {  	[timem:s3], [sflag:s2] =	dma.local @!p0 [hbm:s0], s1  }
0x122: {  	s0 =	simm.s32 @!p0 $0x2  }
0x123: {  	_ =	swait.ge @!p0 [sflag:s0], s1  }
0x124: {  	s1 =	ssub.s32 @!p0 $0x0, s1;
	[sflag:s0] =	ssyncset.done @!p0 $0x0  }
0x125: {  	[sflag:s0] =	ssyncadd.s32 @!p0 s1  }
0x126: {  	[bflag:$0x3] =	sbarrier.arrive $0xFFFF  }
0x127: {  	_ =	shalt  }

</sc_bundles>
